<compile_context>
chip_gen: v7x
topology: tpu7x:2x2x1
jax: 0.10.2.dev20260603
libtpu: 0.0.44.dev20260713+nightly
codegen_flags: <defaults>
</compile_context>

<pallas_src>
import functools

import jax
import jax.numpy as jnp
from jax import lax
from jax.experimental import pallas as pl
from jax.experimental.pallas import tpu as pltpu
from jax.experimental.pallas import tpu_sc as plsc

B, L, D = 4, 4096, 1024
NC, NS = 2, 16
NW = NC * NS
LROWS_W = L // NW
R = 8
XD = 4
NPC = LROWS_W // R
NK = NPC * B


def _sc_add(x_hbm, pos_hbm, out_hbm, xbuf, pbuf, obuf, xs0, xs1, xs2, xs3,
            ps0, ps1, os0, os1, os2, os3):
    xsem = (xs0, xs1, xs2, xs3)
    psem = (ps0, ps1)
    osem = (os0, os1, os2, os3)
    wid = lax.axis_index("s") * NC + lax.axis_index("c")
    lbase = wid * LROWS_W

    def start_x(k, slot):
        bi = k & (B - 1)
        l0 = lbase + (k >> 2) * R
        pltpu.async_copy(x_hbm.at[bi, pl.ds(l0, R), :], xbuf.at[slot],
                         xsem[slot])

    def wait_x(k, slot):
        bi = k & (B - 1)
        l0 = lbase + (k >> 2) * R
        pltpu.make_async_copy(x_hbm.at[bi, pl.ds(l0, R), :], xbuf.at[slot],
                              xsem[slot]).wait()

    def start_pos(pc, slot):
        l0 = lbase + pc * R
        pltpu.async_copy(pos_hbm.at[pl.ds(l0, R), :], pbuf.at[slot],
                         psem[slot])

    def wait_pos(pc, slot):
        l0 = lbase + pc * R
        pltpu.make_async_copy(pos_hbm.at[pl.ds(l0, R), :], pbuf.at[slot],
                              psem[slot]).wait()

    def start_out(k, slot):
        bi = k & (B - 1)
        l0 = lbase + (k >> 2) * R
        pltpu.async_copy(obuf.at[slot], out_hbm.at[bi, pl.ds(l0, R), :],
                         osem[slot])

    def wait_out(k, slot):
        bi = k & (B - 1)
        l0 = lbase + (k >> 2) * R
        pltpu.make_async_copy(obuf.at[slot], out_hbm.at[bi, pl.ds(l0, R), :],
                              osem[slot]).wait()

    start_pos(0, 0)
    for s in range(XD):
        start_x(s, s)

    @pl.loop(0, NPC, step=2)
    def _(pc0):
        for pp in range(2):
            pc = pc0 + pp
            wait_pos(pc, pp)

            @pl.when(pc + 1 < NPC)
            def _():
                start_pos(pc + 1, 1 - pp)

            for b in range(B):
                k = pc * B + b
                slot = b
                wait_x(k, slot)

                @pl.when(k >= XD)
                def _():
                    wait_out(k - XD, slot)

                @plsc.parallel_loop(0, R * D // 16, unroll=8)
                def _(j):
                    r = j >> 6
                    col = (j & (D // 16 - 1)) * 16
                    s = pl.ds(col, 16)
                    obuf[slot, r, s] = xbuf[slot, r, s] + pbuf[pp, r, s]

                start_out(k, slot)

                @pl.when(k + XD < NK)
                def _():
                    start_x(k + XD, slot)

    for s in range(XD):
        wait_out(NK - XD + s, s)


_sc_kernel = functools.partial(
    pl.kernel,
    mesh=plsc.VectorSubcoreMesh(core_axis_name="c", subcore_axis_name="s"),
    out_type=jax.ShapeDtypeStruct((B, L, D), jnp.float32),
    scratch_types=[
        pltpu.VMEM((XD, R, D), jnp.float32),
        pltpu.VMEM((2, R, D), jnp.float32),
        pltpu.VMEM((XD, R, D), jnp.float32),
        pltpu.SemaphoreType.DMA,
        pltpu.SemaphoreType.DMA,
        pltpu.SemaphoreType.DMA,
        pltpu.SemaphoreType.DMA,
        pltpu.SemaphoreType.DMA,
        pltpu.SemaphoreType.DMA,
        pltpu.SemaphoreType.DMA,
        pltpu.SemaphoreType.DMA,
        pltpu.SemaphoreType.DMA,
        pltpu.SemaphoreType.DMA,
    ],
)(_sc_add)


def kernel(x, pos_table):
    return _sc_kernel(x, pos_table)

# --- scband reference (transcript-rebuilt; emitter-appended) ---
"""Pipeline reference for scband-outer-position-embedding-24627342475328 (READ-ONLY COPY).

The authoritative reference and input builder live on the scoring server;
editing this copy changes nothing except your own understanding.
"""

import jax, jax.numpy as jnp
import numpy as np

MAXLEN = 4096
EMBED_DIM = 1024

def setup_inputs(seed: int = 0) -> dict:
    key = jax.random.key(seed)
    k1, k2 = jax.random.split(key)
    x = jax.random.normal(k1, (4, 4096, EMBED_DIM), dtype=jnp.float32)
    # Keras Embedding default init: uniform(-0.05, 0.05)
    pos_table = jax.random.uniform(k2, (MAXLEN, EMBED_DIM), dtype=jnp.float32, minval=-0.05, maxval=0.05)
    return {"x": x, "pos_table": pos_table}

def reference(x, pos_table):
    seq_len = x.shape[1]
    positions = jnp.arange(0, seq_len, dtype=jnp.int32)
    pos_emb = jnp.take(pos_table, positions, axis=0)  # [L, D]
    return x + pos_emb[None, :, :]

if __name__ == "__main__":
    import jax
    _d = setup_inputs()
    print(jax.jit(kernel)(*tuple(_d.values())))

</pallas_src>

<mosaic_0001>
#map = affine_map<(d0, d1) -> (0, 0, 0)>
#map1 = affine_map<(d0, d1) -> (0, 0)>
module attributes {stable_mosaic.version = 14 : i64} {
  func.func @_sc_add(%arg0: i32, %arg1: i32, %arg2: memref<4x4096x1024xf32, #tpu.memory_space<hbm>>, %arg3: memref<4096x1024xf32, #tpu.memory_space<hbm>>, %arg4: memref<4x4096x1024xf32, #tpu.memory_space<hbm>>, %arg5: memref<4x8x1024xf32, #tpu.memory_space<vmem>>, %arg6: memref<2x8x1024xf32, #tpu.memory_space<vmem>>, %arg7: memref<4x8x1024xf32, #tpu.memory_space<vmem>>, %arg8: memref<!tpu.dma_semaphore, #tpu.memory_space<semaphore_mem>>, %arg9: memref<!tpu.dma_semaphore, #tpu.memory_space<semaphore_mem>>, %arg10: memref<!tpu.dma_semaphore, #tpu.memory_space<semaphore_mem>>, %arg11: memref<!tpu.dma_semaphore, #tpu.memory_space<semaphore_mem>>, %arg12: memref<!tpu.dma_semaphore, #tpu.memory_space<semaphore_mem>>, %arg13: memref<!tpu.dma_semaphore, #tpu.memory_space<semaphore_mem>>, %arg14: memref<!tpu.dma_semaphore, #tpu.memory_space<semaphore_mem>>, %arg15: memref<!tpu.dma_semaphore, #tpu.memory_space<semaphore_mem>>, %arg16: memref<!tpu.dma_semaphore, #tpu.memory_space<semaphore_mem>>, %arg17: memref<!tpu.dma_semaphore, #tpu.memory_space<semaphore_mem>>) attributes {dimension_semantics = [#tpu.dimension_semantics<core_parallel>, #tpu.dimension_semantics<subcore_parallel>], iteration_bounds = array<i64: 2, 16>, scalar_prefetch = 0 : i64, scratch_operands = 13 : i64, tpu.core_type = #tpu.core_type<sc_vector_subcore>, window_params = [{transform_indices = #map}, {transform_indices = #map1}, {transform_indices = #map}]} {
    %mul3A = arith.constant 2 : i32
    %mul3A_0 = arith.muli %arg1, %mul3A : i32
    %add3A = arith.addi %mul3A_0, %arg0 : i32
    %mul3A_1 = arith.constant 128 : i32
    %mul3A_2 = arith.muli %add3A, %mul3A_1 : i32
    %add3A_3 = arith.constant 0 : i32
    %add3A_4 = arith.addi %mul3A_2, %add3A_3 : i32
    %dma_start3A = arith.constant 0 : i32
    %dma_start3A_5 = arith.constant 0 : i32
    %dma_start3A_6 = arith.constant 0 : i32
    %dma_start3A_7 = tpu.memref_slice %arg6[%dma_start3A, %dma_start3A_5, %dma_start3A_6] : memref<2x8x1024xf32, #tpu.memory_space<vmem>> -> memref<1x8x1024xf32, #tpu.memory_space<vmem>>
    %dma_start3A_8 = tpu.memref_squeeze %dma_start3A_7 : memref<1x8x1024xf32, #tpu.memory_space<vmem>> -> memref<8x1024xf32, #tpu.memory_space<vmem>>
    %dma_start3A_9 = arith.constant 0 : i32
    %dma_start3A_10 = tpu.memref_slice %arg3[%add3A_4, %dma_start3A_9] : memref<4096x1024xf32, #tpu.memory_space<hbm>> -> memref<8x1024xf32, #tpu.memory_space<hbm>>
    %dma_start3A_11 = arith.constant 0 : i32
    %dma_start3A_12 = arith.constant 0 : i32
    %dma_start3A_13 = tpu.memref_slice %arg6[%dma_start3A, %dma_start3A_11, %dma_start3A_12] : memref<2x8x1024xf32, #tpu.memory_space<vmem>> -> memref<1x8x1024xf32, #tpu.memory_space<vmem>>
    %dma_start3A_14 = tpu.memref_squeeze %dma_start3A_13 : memref<1x8x1024xf32, #tpu.memory_space<vmem>> -> memref<8x1024xf32, #tpu.memory_space<vmem>>
    %dma_start3A_15 = arith.constant 0 : i32
    %dma_start3A_16 = tpu.memref_slice %arg3[%add3A_4, %dma_start3A_15] : memref<4096x1024xf32, #tpu.memory_space<hbm>> -> memref<8x1024xf32, #tpu.memory_space<hbm>>
    tpu.enqueue_dma source(%dma_start3A_16 : memref<8x1024xf32, #tpu.memory_space<hbm>>) target(%dma_start3A_14 : memref<8x1024xf32, #tpu.memory_space<vmem>>) target_semaphore(%arg12 : memref<!tpu.dma_semaphore, #tpu.memory_space<semaphore_mem>>)
    %add3A_17 = arith.constant 0 : i32
    %add3A_18 = arith.addi %mul3A_2, %add3A_17 : i32
    %dma_start3A_19 = arith.constant 0 : i32
    %dma_start3A_20 = arith.constant 0 : i32
    %dma_start3A_21 = arith.constant 0 : i32
    %dma_start3A_22 = arith.constant 0 : i32
    %dma_start3A_23 = tpu.memref_slice %arg5[%dma_start3A_20, %dma_start3A_21, %dma_start3A_22] : memref<4x8x1024xf32, #tpu.memory_space<vmem>> -> memref<1x8x1024xf32, #tpu.memory_space<vmem>>
    %dma_start3A_24 = tpu.memref_squeeze %dma_start3A_23 : memref<1x8x1024xf32, #tpu.memory_space<vmem>> -> memref<8x1024xf32, #tpu.memory_space<vmem>>
    %dma_start3A_25 = arith.constant 0 : i32
    %dma_start3A_26 = tpu.memref_slice %arg2[%dma_start3A_19, %add3A_18, %dma_start3A_25] : memref<4x4096x1024xf32, #tpu.memory_space<hbm>> -> memref<1x8x1024xf32, #tpu.memory_space<hbm>>
    %dma_start3A_27 = tpu.memref_squeeze %dma_start3A_26 : memref<1x8x1024xf32, #tpu.memory_space<hbm>> -> memref<8x1024xf32, #tpu.memory_space<hbm>>
    %dma_start3A_28 = arith.constant 0 : i32
    %dma_start3A_29 = arith.constant 0 : i32
    %dma_start3A_30 = tpu.memref_slice %arg5[%dma_start3A_20, %dma_start3A_28, %dma_start3A_29] : memref<4x8x1024xf32, #tpu.memory_space<vmem>> -> memref<1x8x1024xf32, #tpu.memory_space<vmem>>
    %dma_start3A_31 = tpu.memref_squeeze %dma_start3A_30 : memref<1x8x1024xf32, #tpu.memory_space<vmem>> -> memref<8x1024xf32, #tpu.memory_space<vmem>>
    %dma_start3A_32 = arith.constant 0 : i32
    %dma_start3A_33 = tpu.memref_slice %arg2[%dma_start3A_19, %add3A_18, %dma_start3A_32] : memref<4x4096x1024xf32, #tpu.memory_space<hbm>> -> memref<1x8x1024xf32, #tpu.memory_space<hbm>>
    %dma_start3A_34 = tpu.memref_squeeze %dma_start3A_33 : memref<1x8x1024xf32, #tpu.memory_space<hbm>> -> memref<8x1024xf32, #tpu.memory_space<hbm>>
    tpu.enqueue_dma source(%dma_start3A_34 : memref<8x1024xf32, #tpu.memory_space<hbm>>) target(%dma_start3A_31 : memref<8x1024xf32, #tpu.memory_space<vmem>>) target_semaphore(%arg8 : memref<!tpu.dma_semaphore, #tpu.memory_space<semaphore_mem>>)
    %add3A_35 = arith.constant 0 : i32
    %add3A_36 = arith.addi %mul3A_2, %add3A_35 : i32
    %dma_start3A_37 = arith.constant 1 : i32
    %dma_start3A_38 = arith.constant 1 : i32
    %dma_start3A_39 = arith.constant 0 : i32
    %dma_start3A_40 = arith.constant 0 : i32
    %dma_start3A_41 = tpu.memref_slice %arg5[%dma_start3A_38, %dma_start3A_39, %dma_start3A_40] : memref<4x8x1024xf32, #tpu.memory_space<vmem>> -> memref<1x8x1024xf32, #tpu.memory_space<vmem>>
    %dma_start3A_42 = tpu.memref_squeeze %dma_start3A_41 : memref<1x8x1024xf32, #tpu.memory_space<vmem>> -> memref<8x1024xf32, #tpu.memory_space<vmem>>
    %dma_start3A_43 = arith.constant 0 : i32
    %dma_start3A_44 = tpu.memref_slice %arg2[%dma_start3A_37, %add3A_36, %dma_start3A_43] : memref<4x4096x1024xf32, #tpu.memory_space<hbm>> -> memref<1x8x1024xf32, #tpu.memory_space<hbm>>
    %dma_start3A_45 = tpu.memref_squeeze %dma_start3A_44 : memref<1x8x1024xf32, #tpu.memory_space<hbm>> -> memref<8x1024xf32, #tpu.memory_space<hbm>>
    %dma_start3A_46 = arith.constant 0 : i32
    %dma_start3A_47 = arith.constant 0 : i32
    %dma_start3A_48 = tpu.memref_slice %arg5[%dma_start3A_38, %dma_start3A_46, %dma_start3A_47] : memref<4x8x1024xf32, #tpu.memory_space<vmem>> -> memref<1x8x1024xf32, #tpu.memory_space<vmem>>
    %dma_start3A_49 = tpu.memref_squeeze %dma_start3A_48 : memref<1x8x1024xf32, #tpu.memory_space<vmem>> -> memref<8x1024xf32, #tpu.memory_space<vmem>>
    %dma_start3A_50 = arith.constant 0 : i32
    %dma_start3A_51 = tpu.memref_slice %arg2[%dma_start3A_37, %add3A_36, %dma_start3A_50] : memref<4x4096x1024xf32, #tpu.memory_space<hbm>> -> memref<1x8x1024xf32, #tpu.memory_space<hbm>>
    %dma_start3A_52 = tpu.memref_squeeze %dma_start3A_51 : memref<1x8x1024xf32, #tpu.memory_space<hbm>> -> memref<8x1024xf32, #tpu.memory_space<hbm>>
    tpu.enqueue_dma source(%dma_start3A_52 : memref<8x1024xf32, #tpu.memory_space<hbm>>) target(%dma_start3A_49 : memref<8x1024xf32, #tpu.memory_space<vmem>>) target_semaphore(%arg9 : memref<!tpu.dma_semaphore, #tpu.memory_space<semaphore_mem>>)
    %add3A_53 = arith.constant 0 : i32
    %add3A_54 = arith.addi %mul3A_2, %add3A_53 : i32
    %dma_start3A_55 = arith.constant 2 : i32
    %dma_start3A_56 = arith.constant 2 : i32
    %dma_start3A_57 = arith.constant 0 : i32
    %dma_start3A_58 = arith.constant 0 : i32
    %dma_start3A_59 = tpu.memref_slice %arg5[%dma_start3A_56, %dma_start3A_57, %dma_start3A_58] : memref<4x8x1024xf32, #tpu.memory_space<vmem>> -> memref<1x8x1024xf32, #tpu.memory_space<vmem>>
    %dma_start3A_60 = tpu.memref_squeeze %dma_start3A_59 : memref<1x8x1024xf32, #tpu.memory_space<vmem>> -> memref<8x1024xf32, #tpu.memory_space<vmem>>
    %dma_start3A_61 = arith.constant 0 : i32
    %dma_start3A_62 = tpu.memref_slice %arg2[%dma_start3A_55, %add3A_54, %dma_start3A_61] : memref<4x4096x1024xf32, #tpu.memory_space<hbm>> -> memref<1x8x1024xf32, #tpu.memory_space<hbm>>
    %dma_start3A_63 = tpu.memref_squeeze %dma_start3A_62 : memref<1x8x1024xf32, #tpu.memory_space<hbm>> -> memref<8x1024xf32, #tpu.memory_space<hbm>>
    %dma_start3A_64 = arith.constant 0 : i32
    %dma_start3A_65 = arith.constant 0 : i32
    %dma_start3A_66 = tpu.memref_slice %arg5[%dma_start3A_56, %dma_start3A_64, %dma_start3A_65] : memref<4x8x1024xf32, #tpu.memory_space<vmem>> -> memref<1x8x1024xf32, #tpu.memory_space<vmem>>
    %dma_start3A_67 = tpu.memref_squeeze %dma_start3A_66 : memref<1x8x1024xf32, #tpu.memory_space<vmem>> -> memref<8x1024xf32, #tpu.memory_space<vmem>>
    %dma_start3A_68 = arith.constant 0 : i32
    %dma_start3A_69 = tpu.memref_slice %arg2[%dma_start3A_55, %add3A_54, %dma_start3A_68] : memref<4x4096x1024xf32, #tpu.memory_space<hbm>> -> memref<1x8x1024xf32, #tpu.memory_space<hbm>>
    %dma_start3A_70 = tpu.memref_squeeze %dma_start3A_69 : memref<1x8x1024xf32, #tpu.memory_space<hbm>> -> memref<8x1024xf32, #tpu.memory_space<hbm>>
    tpu.enqueue_dma source(%dma_start3A_70 : memref<8x1024xf32, #tpu.memory_space<hbm>>) target(%dma_start3A_67 : memref<8x1024xf32, #tpu.memory_space<vmem>>) target_semaphore(%arg10 : memref<!tpu.dma_semaphore, #tpu.memory_space<semaphore_mem>>)
    %add3A_71 = arith.constant 0 : i32
    %add3A_72 = arith.addi %mul3A_2, %add3A_71 : i32
    %dma_start3A_73 = arith.constant 3 : i32
    %dma_start3A_74 = arith.constant 3 : i32
    %dma_start3A_75 = arith.constant 0 : i32
    %dma_start3A_76 = arith.constant 0 : i32
    %dma_start3A_77 = tpu.memref_slice %arg5[%dma_start3A_74, %dma_start3A_75, %dma_start3A_76] : memref<4x8x1024xf32, #tpu.memory_space<vmem>> -> memref<1x8x1024xf32, #tpu.memory_space<vmem>>
    %dma_start3A_78 = tpu.memref_squeeze %dma_start3A_77 : memref<1x8x1024xf32, #tpu.memory_space<vmem>> -> memref<8x1024xf32, #tpu.memory_space<vmem>>
    %dma_start3A_79 = arith.constant 0 : i32
    %dma_start3A_80 = tpu.memref_slice %arg2[%dma_start3A_73, %add3A_72, %dma_start3A_79] : memref<4x4096x1024xf32, #tpu.memory_space<hbm>> -> memref<1x8x1024xf32, #tpu.memory_space<hbm>>
    %dma_start3A_81 = tpu.memref_squeeze %dma_start3A_80 : memref<1x8x1024xf32, #tpu.memory_space<hbm>> -> memref<8x1024xf32, #tpu.memory_space<hbm>>
    %dma_start3A_82 = arith.constant 0 : i32
    %dma_start3A_83 = arith.constant 0 : i32
    %dma_start3A_84 = tpu.memref_slice %arg5[%dma_start3A_74, %dma_start3A_82, %dma_start3A_83] : memref<4x8x1024xf32, #tpu.memory_space<vmem>> -> memref<1x8x1024xf32, #tpu.memory_space<vmem>>
    %dma_start3A_85 = tpu.memref_squeeze %dma_start3A_84 : memref<1x8x1024xf32, #tpu.memory_space<vmem>> -> memref<8x1024xf32, #tpu.memory_space<vmem>>
    %dma_start3A_86 = arith.constant 0 : i32
    %dma_start3A_87 = tpu.memref_slice %arg2[%dma_start3A_73, %add3A_72, %dma_start3A_86] : memref<4x4096x1024xf32, #tpu.memory_space<hbm>> -> memref<1x8x1024xf32, #tpu.memory_space<hbm>>
    %dma_start3A_88 = tpu.memref_squeeze %dma_start3A_87 : memref<1x8x1024xf32, #tpu.memory_space<hbm>> -> memref<8x1024xf32, #tpu.memory_space<hbm>>
    tpu.enqueue_dma source(%dma_start3A_88 : memref<8x1024xf32, #tpu.memory_space<hbm>>) target(%dma_start3A_85 : memref<8x1024xf32, #tpu.memory_space<vmem>>) target_semaphore(%arg11 : memref<!tpu.dma_semaphore, #tpu.memory_space<semaphore_mem>>)
    %scan3A = arith.constant 0 : i32
    %scan3A_89 = arith.constant 8 : i32
    %scan3A_90 = arith.addi %scan3A, %scan3A_89 : i32
    %scan3A_91 = arith.constant 1 : i32
    scf.for %scan3A_164 = %scan3A to %scan3A_90 step %scan3A_91  : i32 {
      %mul3A_165 = arith.constant 2 : i32
      %mul3A_166 = arith.muli %scan3A_164, %mul3A_165 : i32
      %add3A_167 = arith.constant 0 : i32
      %add3A_168 = arith.addi %add3A_167, %mul3A_166 : i32
      %add3A_169 = arith.constant 0 : i32
      %add3A_170 = arith.addi %add3A_168, %add3A_169 : i32
      %mul3A_171 = arith.constant 8 : i32
      %mul3A_172 = arith.muli %add3A_170, %mul3A_171 : i32
      %add3A_173 = arith.addi %mul3A_2, %mul3A_172 : i32
      %dma_wait3A_174 = arith.constant 0 : i32
      %dma_wait3A_175 = arith.constant 0 : i32
      %dma_wait3A_176 = arith.constant 0 : i32
      %dma_wait3A_177 = tpu.memref_slice %arg6[%dma_wait3A_174, %dma_wait3A_175, %dma_wait3A_176] : memref<2x8x1024xf32, #tpu.memory_space<vmem>> -> memref<1x8x1024xf32, #tpu.memory_space<vmem>>
      %dma_wait3A_178 = tpu.memref_squeeze %dma_wait3A_177 : memref<1x8x1024xf32, #tpu.memory_space<vmem>> -> memref<8x1024xf32, #tpu.memory_space<vmem>>
      %dma_wait3A_179 = arith.constant 0 : i32
      %dma_wait3A_180 = tpu.memref_slice %arg3[%add3A_173, %dma_wait3A_179] : memref<4096x1024xf32, #tpu.memory_space<hbm>> -> memref<8x1024xf32, #tpu.memory_space<hbm>>
      %dma_wait3A_181 = arith.constant 0 : i32
      %dma_wait3A_182 = arith.constant 0 : i32
      %dma_wait3A_183 = tpu.memref_slice %arg6[%dma_wait3A_174, %dma_wait3A_181, %dma_wait3A_182] : memref<2x8x1024xf32, #tpu.memory_space<vmem>> -> memref<1x8x1024xf32, #tpu.memory_space<vmem>>
      %dma_wait3A_184 = tpu.memref_squeeze %dma_wait3A_183 : memref<1x8x1024xf32, #tpu.memory_space<vmem>> -> memref<8x1024xf32, #tpu.memory_space<vmem>>
      %dma_wait3A_185 = arith.constant 0 : i32
      %dma_wait3A_186 = tpu.memref_slice %arg3[%add3A_173, %dma_wait3A_185] : memref<4096x1024xf32, #tpu.memory_space<hbm>> -> memref<8x1024xf32, #tpu.memory_space<hbm>>
      tpu.wait_dma2 semaphore(%arg12 : memref<!tpu.dma_semaphore, #tpu.memory_space<semaphore_mem>>) src(%dma_wait3A_186 : memref<8x1024xf32, #tpu.memory_space<hbm>>) dst(%dma_wait3A_184 : memref<8x1024xf32, #tpu.memory_space<vmem>>)
      %add3A_187 = arith.constant 1 : i32
      %add3A_188 = arith.addi %add3A_170, %add3A_187 : i32
      %lt3A = arith.constant 16 : i32
      %lt3A_189 = arith.cmpi slt, %add3A_188, %lt3A : i32
      %convert_element_type3A = arith.extui %lt3A_189 : i1 to i32
      %cond3A = arith.constant 0 : i32
      %cond3A_190 = arith.cmpi ne, %convert_element_type3A, %cond3A : i32
      scf.if %cond3A_190 {
        %add3A_716 = arith.constant 1 : i32
        %add3A_717 = arith.addi %add3A_170, %add3A_716 : i32
        %mul3A_718 = arith.constant 8 : i32
        %mul3A_719 = arith.muli %add3A_717, %mul3A_718 : i32
        %add3A_720 = arith.addi %mul3A_2, %mul3A_719 : i32
        %dma_start3A_721 = arith.constant 1 : i32
        %dma_start3A_722 = arith.constant 0 : i32
        %dma_start3A_723 = arith.constant 0 : i32
        %dma_start3A_724 = tpu.memref_slice %arg6[%dma_start3A_721, %dma_start3A_722, %dma_start3A_723] : memref<2x8x1024xf32, #tpu.memory_space<vmem>> -> memref<1x8x1024xf32, #tpu.memory_space<vmem>>
        %dma_start3A_725 = tpu.memref_squeeze %dma_start3A_724 : memref<1x8x1024xf32, #tpu.memory_space<vmem>> -> memref<8x1024xf32, #tpu.memory_space<vmem>>
        %dma_start3A_726 = arith.constant 0 : i32
        %dma_start3A_727 = tpu.memref_slice %arg3[%add3A_720, %dma_start3A_726] : memref<4096x1024xf32, #tpu.memory_space<hbm>> -> memref<8x1024xf32, #tpu.memory_space<hbm>>
        %dma_start3A_728 = arith.constant 0 : i32
        %dma_start3A_729 = arith.constant 0 : i32
        %dma_start3A_730 = tpu.memref_slice %arg6[%dma_start3A_721, %dma_start3A_728, %dma_start3A_729] : memref<2x8x1024xf32, #tpu.memory_space<vmem>> -> memref<1x8x1024xf32, #tpu.memory_space<vmem>>
        %dma_start3A_731 = tpu.memref_squeeze %dma_start3A_730 : memref<1x8x1024xf32, #tpu.memory_space<vmem>> -> memref<8x1024xf32, #tpu.memory_space<vmem>>
        %dma_start3A_732 = arith.constant 0 : i32
        %dma_start3A_733 = tpu.memref_slice %arg3[%add3A_720, %dma_start3A_732] : memref<4096x1024xf32, #tpu.memory_space<hbm>> -> memref<8x1024xf32, #tpu.memory_space<hbm>>
        tpu.enqueue_dma source(%dma_start3A_733 : memref<8x1024xf32, #tpu.memory_space<hbm>>) target(%dma_start3A_731 : memref<8x1024xf32, #tpu.memory_space<vmem>>) target_semaphore(%arg13 : memref<!tpu.dma_semaphore, #tpu.memory_space<semaphore_mem>>)
      } else {
      }
      %mul3A_191 = arith.constant 4 : i32
      %mul3A_192 = arith.muli %add3A_170, %mul3A_191 : i32
      %add3A_193 = arith.constant 0 : i32
      %add3A_194 = arith.addi %mul3A_192, %add3A_193 : i32
      %and3A = arith.constant 3 : i32
      %and3A_195 = arith.andi %add3A_194, %and3A : i32
      %shift_right_arithmetic3A = arith.constant 2 : i32
      %shift_right_arithmetic3A_196 = arith.shrsi %add3A_194, %shift_right_arithmetic3A : i32
      %mul3A_197 = arith.constant 8 : i32
      %mul3A_198 = arith.muli %shift_right_arithmetic3A_196, %mul3A_197 : i32
      %add3A_199 = arith.addi %mul3A_2, %mul3A_198 : i32
      %dma_wait3A_200 = arith.constant 0 : i32
      %dma_wait3A_201 = arith.constant 0 : i32
      %dma_wait3A_202 = arith.constant 0 : i32
      %dma_wait3A_203 = tpu.memref_slice %arg5[%dma_wait3A_200, %dma_wait3A_201, %dma_wait3A_202] : memref<4x8x1024xf32, #tpu.memory_space<vmem>> -> memref<1x8x1024xf32, #tpu.memory_space<vmem>>
      %dma_wait3A_204 = tpu.memref_squeeze %dma_wait3A_203 : memref<1x8x1024xf32, #tpu.memory_space<vmem>> -> memref<8x1024xf32, #tpu.memory_space<vmem>>
      %dma_wait3A_205 = arith.constant 0 : i32
      %dma_wait3A_206 = tpu.memref_slice %arg2[%and3A_195, %add3A_199, %dma_wait3A_205] : memref<4x4096x1024xf32, #tpu.memory_space<hbm>> -> memref<1x8x1024xf32, #tpu.memory_space<hbm>>
      %dma_wait3A_207 = tpu.memref_squeeze %dma_wait3A_206 : memref<1x8x1024xf32, #tpu.memory_space<hbm>> -> memref<8x1024xf32, #tpu.memory_space<hbm>>
      %dma_wait3A_208 = arith.constant 0 : i32
      %dma_wait3A_209 = arith.constant 0 : i32
      %dma_wait3A_210 = tpu.memref_slice %arg5[%dma_wait3A_200, %dma_wait3A_208, %dma_wait3A_209] : memref<4x8x1024xf32, #tpu.memory_space<vmem>> -> memref<1x8x1024xf32, #tpu.memory_space<vmem>>
      %dma_wait3A_211 = tpu.memref_squeeze %dma_wait3A_210 : memref<1x8x1024xf32, #tpu.memory_space<vmem>> -> memref<8x1024xf32, #tpu.memory_space<vmem>>
      %dma_wait3A_212 = arith.constant 0 : i32
      %dma_wait3A_213 = tpu.memref_slice %arg2[%and3A_195, %add3A_199, %dma_wait3A_212] : memref<4x4096x1024xf32, #tpu.memory_space<hbm>> -> memref<1x8x1024xf32, #tpu.memory_space<hbm>>
      %dma_wait3A_214 = tpu.memref_squeeze %dma_wait3A_213 : memref<1x8x1024xf32, #tpu.memory_space<hbm>> -> memref<8x1024xf32, #tpu.memory_space<hbm>>
      tpu.wait_dma2 semaphore(%arg8 : memref<!tpu.dma_semaphore, #tpu.memory_space<semaphore_mem>>) src(%dma_wait3A_214 : memref<8x1024xf32, #tpu.memory_space<hbm>>) dst(%dma_wait3A_211 : memref<8x1024xf32, #tpu.memory_space<vmem>>)
      %ge3A = arith.constant 4 : i32
      %ge3A_215 = arith.cmpi sge, %add3A_194, %ge3A : i32
      %convert_element_type3A_216 = arith.extui %ge3A_215 : i1 to i32
      %cond3A_217 = arith.constant 0 : i32
      %cond3A_218 = arith.cmpi ne, %convert_element_type3A_216, %cond3A_217 : i32
      scf.if %cond3A_218 {
        %sub3A = arith.constant 4 : i32
        %sub3A_716 = arith.subi %add3A_194, %sub3A : i32
        %and3A_717 = arith.constant 3 : i32
        %and3A_718 = arith.andi %sub3A_716, %and3A_717 : i32
        %shift_right_arithmetic3A_719 = arith.constant 2 : i32
        %shift_right_arithmetic3A_720 = arith.shrsi %sub3A_716, %shift_right_arithmetic3A_719 : i32
        %mul3A_721 = arith.constant 8 : i32
        %mul3A_722 = arith.muli %shift_right_arithmetic3A_720, %mul3A_721 : i32
        %add3A_723 = arith.addi %mul3A_2, %mul3A_722 : i32
        %dma_wait3A_724 = arith.constant 0 : i32
        %dma_wait3A_725 = arith.constant 0 : i32
        %dma_wait3A_726 = arith.constant 0 : i32
        %dma_wait3A_727 = tpu.memref_slice %arg7[%dma_wait3A_724, %dma_wait3A_725, %dma_wait3A_726] : memref<4x8x1024xf32, #tpu.memory_space<vmem>> -> memref<1x8x1024xf32, #tpu.memory_space<vmem>>
        %dma_wait3A_728 = tpu.memref_squeeze %dma_wait3A_727 : memref<1x8x1024xf32, #tpu.memory_space<vmem>> -> memref<8x1024xf32, #tpu.memory_space<vmem>>
        %dma_wait3A_729 = arith.constant 0 : i32
        %dma_wait3A_730 = tpu.memref_slice %arg4[%and3A_718, %add3A_723, %dma_wait3A_729] : memref<4x4096x1024xf32, #tpu.memory_space<hbm>> -> memref<1x8x1024xf32, #tpu.memory_space<hbm>>
        %dma_wait3A_731 = tpu.memref_squeeze %dma_wait3A_730 : memref<1x8x1024xf32, #tpu.memory_space<hbm>> -> memref<8x1024xf32, #tpu.memory_space<hbm>>
        %dma_wait3A_732 = arith.constant 0 : i32
        %dma_wait3A_733 = tpu.memref_slice %arg4[%and3A_718, %add3A_723, %dma_wait3A_732] : memref<4x4096x1024xf32, #tpu.memory_space<hbm>> -> memref<1x8x1024xf32, #tpu.memory_space<hbm>>
        %dma_wait3A_734 = tpu.memref_squeeze %dma_wait3A_733 : memref<1x8x1024xf32, #tpu.memory_space<hbm>> -> memref<8x1024xf32, #tpu.memory_space<hbm>>
        %dma_wait3A_735 = arith.constant 0 : i32
        %dma_wait3A_736 = arith.constant 0 : i32
        %dma_wait3A_737 = tpu.memref_slice %arg7[%dma_wait3A_724, %dma_wait3A_735, %dma_wait3A_736] : memref<4x8x1024xf32, #tpu.memory_space<vmem>> -> memref<1x8x1024xf32, #tpu.memory_space<vmem>>
        %dma_wait3A_738 = tpu.memref_squeeze %dma_wait3A_737 : memref<1x8x1024xf32, #tpu.memory_space<vmem>> -> memref<8x1024xf32, #tpu.memory_space<vmem>>
        tpu.wait_dma2 semaphore(%arg14 : memref<!tpu.dma_semaphore, #tpu.memory_space<semaphore_mem>>) src(%dma_wait3A_738 : memref<8x1024xf32, #tpu.memory_space<vmem>>) dst(%dma_wait3A_734 : memref<8x1024xf32, #tpu.memory_space<hbm>>)
      } else {
      }
      %parallel_loop3A = arith.constant 0 : i32
      %parallel_loop3A_219 = arith.constant 512 : i32
      %parallel_loop3A_220 = arith.constant 1 : i32
      scf.for %parallel_loop3A_716 = %parallel_loop3A to %parallel_loop3A_219 step %parallel_loop3A_220  : i32 {
        %parallel_loop3A_717 = arith.constant 6 : i32
        %parallel_loop3A_718 = arith.shrsi %parallel_loop3A_716, %parallel_loop3A_717 : i32
        %parallel_loop3A_719 = arith.constant 63 : i32
        %parallel_loop3A_720 = arith.andi %parallel_loop3A_716, %parallel_loop3A_719 : i32
        %parallel_loop3A_721 = arith.constant 16 : i32
        %parallel_loop3A_722 = arith.muli %parallel_loop3A_720, %parallel_loop3A_721 : i32
        %parallel_loop3A_723 = arith.constant 0 : i32
        %parallel_loop3A_724 = arith.index_cast %parallel_loop3A_723 : i32 to index
        %parallel_loop3A_725 = arith.index_cast %parallel_loop3A_718 : i32 to index
        %parallel_loop3A_726 = arith.index_cast %parallel_loop3A_722 : i32 to index
        %parallel_loop3A_727 = tpu.vector_load %arg5[%parallel_loop3A_724, %parallel_loop3A_725, %parallel_loop3A_726] {strides = array<i32>} : memref<4x8x1024xf32, #tpu.memory_space<vmem>>, vector<1x1x16xf32>,
        %parallel_loop3A_728 = vector.shape_cast %parallel_loop3A_727 : vector<1x1x16xf32> to vector<16xf32>
        %parallel_loop3A_729 = arith.constant 0 : i32
        %parallel_loop3A_730 = arith.index_cast %parallel_loop3A_729 : i32 to index
        %parallel_loop3A_731 = arith.index_cast %parallel_loop3A_718 : i32 to index
        %parallel_loop3A_732 = arith.index_cast %parallel_loop3A_722 : i32 to index
        %parallel_loop3A_733 = tpu.vector_load %arg6[%parallel_loop3A_730, %parallel_loop3A_731, %parallel_loop3A_732] {strides = array<i32>} : memref<2x8x1024xf32, #tpu.memory_space<vmem>>, vector<1x1x16xf32>,
        %parallel_loop3A_734 = vector.shape_cast %parallel_loop3A_733 : vector<1x1x16xf32> to vector<16xf32>
        %parallel_loop3A_735 = arith.addf %parallel_loop3A_728, %parallel_loop3A_734 : vector<16xf32>
        %parallel_loop3A_736 = arith.constant 0 : i32
        %parallel_loop3A_737 = arith.index_cast %parallel_loop3A_736 : i32 to index
        %parallel_loop3A_738 = arith.index_cast %parallel_loop3A_718 : i32 to index
        %parallel_loop3A_739 = arith.index_cast %parallel_loop3A_722 : i32 to index
        %parallel_loop3A_740 = tpu.vector_load %arg7[%parallel_loop3A_737, %parallel_loop3A_738, %parallel_loop3A_739] {strides = array<i32>} : memref<4x8x1024xf32, #tpu.memory_space<vmem>>, vector<1x1x16xf32>,
        %parallel_loop3A_741 = vector.shape_cast %parallel_loop3A_740 : vector<1x1x16xf32> to vector<16xf32>
        %parallel_loop3A_742 = vector.shape_cast %parallel_loop3A_735 : vector<16xf32> to vector<1x1x16xf32>
        tpu.vector_store %arg7[%parallel_loop3A_737, %parallel_loop3A_738, %parallel_loop3A_739], %parallel_loop3A_742 {strides = array<i32>} : memref<4x8x1024xf32, #tpu.memory_space<vmem>>, vector<1x1x16xf32>,
      } {sc.loop_unroll_factor = 8 : i64, sc.parallel_access}
      %and3A_221 = arith.constant 3 : i32
      %and3A_222 = arith.andi %add3A_194, %and3A_221 : i32
      %shift_right_arithmetic3A_223 = arith.constant 2 : i32
      %shift_right_arithmetic3A_224 = arith.shrsi %add3A_194, %shift_right_arithmetic3A_223 : i32
      %mul3A_225 = arith.constant 8 : i32
      %mul3A_226 = arith.muli %shift_right_arithmetic3A_224, %mul3A_225 : i32
      %add3A_227 = arith.addi %mul3A_2, %mul3A_226 : i32
      %dma_start3A_228 = arith.constant 0 : i32
      %dma_start3A_229 = arith.constant 0 : i32
      %dma_start3A_230 = arith.constant 0 : i32
      %dma_start3A_231 = tpu.memref_slice %arg7[%dma_start3A_228, %dma_start3A_229, %dma_start3A_230] : memref<4x8x1024xf32, #tpu.memory_space<vmem>> -> memref<1x8x1024xf32, #tpu.memory_space<vmem>>
      %dma_start3A_232 = tpu.memref_squeeze %dma_start3A_231 : memref<1x8x1024xf32, #tpu.memory_space<vmem>> -> memref<8x1024xf32, #tpu.memory_space<vmem>>
      %dma_start3A_233 = arith.constant 0 : i32
      %dma_start3A_234 = tpu.memref_slice %arg4[%and3A_222, %add3A_227, %dma_start3A_233] : memref<4x4096x1024xf32, #tpu.memory_space<hbm>> -> memref<1x8x1024xf32, #tpu.memory_space<hbm>>
      %dma_start3A_235 = tpu.memref_squeeze %dma_start3A_234 : memref<1x8x1024xf32, #tpu.memory_space<hbm>> -> memref<8x1024xf32, #tpu.memory_space<hbm>>
      %dma_start3A_236 = arith.constant 0 : i32
      %dma_start3A_237 = tpu.memref_slice %arg4[%and3A_222, %add3A_227, %dma_start3A_236] : memref<4x4096x1024xf32, #tpu.memory_space<hbm>> -> memref<1x8x1024xf32, #tpu.memory_space<hbm>>
      %dma_start3A_238 = tpu.memref_squeeze %dma_start3A_237 : memref<1x8x1024xf32, #tpu.memory_space<hbm>> -> memref<8x1024xf32, #tpu.memory_space<hbm>>
      %dma_start3A_239 = arith.constant 0 : i32
      %dma_start3A_240 = arith.constant 0 : i32
      %dma_start3A_241 = tpu.memref_slice %arg7[%dma_start3A_228, %dma_start3A_239, %dma_start3A_240] : memref<4x8x1024xf32, #tpu.memory_space<vmem>> -> memref<1x8x1024xf32, #tpu.memory_space<vmem>>
      %dma_start3A_242 = tpu.memref_squeeze %dma_start3A_241 : memref<1x8x1024xf32, #tpu.memory_space<vmem>> -> memref<8x1024xf32, #tpu.memory_space<vmem>>
      tpu.enqueue_dma source(%dma_start3A_242 : memref<8x1024xf32, #tpu.memory_space<vmem>>) target(%dma_start3A_238 : memref<8x1024xf32, #tpu.memory_space<hbm>>) target_semaphore(%arg14 : memref<!tpu.dma_semaphore, #tpu.memory_space<semaphore_mem>>)
      %add3A_243 = arith.constant 4 : i32
      %add3A_244 = arith.addi %add3A_194, %add3A_243 : i32
      %lt3A_245 = arith.constant 64 : i32
      %lt3A_246 = arith.cmpi slt, %add3A_244, %lt3A_245 : i32
      %convert_element_type3A_247 = arith.extui %lt3A_246 : i1 to i32
      %cond3A_248 = arith.constant 0 : i32
      %cond3A_249 = arith.cmpi ne, %convert_element_type3A_247, %cond3A_248 : i32
      scf.if %cond3A_249 {
        %add3A_716 = arith.constant 4 : i32
        %add3A_717 = arith.addi %add3A_194, %add3A_716 : i32
        %and3A_718 = arith.constant 3 : i32
        %and3A_719 = arith.andi %add3A_717, %and3A_718 : i32
        %shift_right_arithmetic3A_720 = arith.constant 2 : i32
        %shift_right_arithmetic3A_721 = arith.shrsi %add3A_717, %shift_right_arithmetic3A_720 : i32
        %mul3A_722 = arith.constant 8 : i32
        %mul3A_723 = arith.muli %shift_right_arithmetic3A_721, %mul3A_722 : i32
        %add3A_724 = arith.addi %mul3A_2, %mul3A_723 : i32
        %dma_start3A_725 = arith.constant 0 : i32
        %dma_start3A_726 = arith.constant 0 : i32
        %dma_start3A_727 = arith.constant 0 : i32
        %dma_start3A_728 = tpu.memref_slice %arg5[%dma_start3A_725, %dma_start3A_726, %dma_start3A_727] : memref<4x8x1024xf32, #tpu.memory_space<vmem>> -> memref<1x8x1024xf32, #tpu.memory_space<vmem>>
        %dma_start3A_729 = tpu.memref_squeeze %dma_start3A_728 : memref<1x8x1024xf32, #tpu.memory_space<vmem>> -> memref<8x1024xf32, #tpu.memory_space<vmem>>
        %dma_start3A_730 = arith.constant 0 : i32
        %dma_start3A_731 = tpu.memref_slice %arg2[%and3A_719, %add3A_724, %dma_start3A_730] : memref<4x4096x1024xf32, #tpu.memory_space<hbm>> -> memref<1x8x1024xf32, #tpu.memory_space<hbm>>
        %dma_start3A_732 = tpu.memref_squeeze %dma_start3A_731 : memref<1x8x1024xf32, #tpu.memory_space<hbm>> -> memref<8x1024xf32, #tpu.memory_space<hbm>>
        %dma_start3A_733 = arith.constant 0 : i32
        %dma_start3A_734 = arith.constant 0 : i32
        %dma_start3A_735 = tpu.memref_slice %arg5[%dma_start3A_725, %dma_start3A_733, %dma_start3A_734] : memref<4x8x1024xf32, #tpu.memory_space<vmem>> -> memref<1x8x1024xf32, #tpu.memory_space<vmem>>
        %dma_start3A_736 = tpu.memref_squeeze %dma_start3A_735 : memref<1x8x1024xf32, #tpu.memory_space<vmem>> -> memref<8x1024xf32, #tpu.memory_space<vmem>>
        %dma_start3A_737 = arith.constant 0 : i32
        %dma_start3A_738 = tpu.memref_slice %arg2[%and3A_719, %add3A_724, %dma_start3A_737] : memref<4x4096x1024xf32, #tpu.memory_space<hbm>> -> memref<1x8x1024xf32, #tpu.memory_space<hbm>>
        %dma_start3A_739 = tpu.memref_squeeze %dma_start3A_738 : memref<1x8x1024xf32, #tpu.memory_space<hbm>> -> memref<8x1024xf32, #tpu.memory_space<hbm>>
        tpu.enqueue_dma source(%dma_start3A_739 : memref<8x1024xf32, #tpu.memory_space<hbm>>) target(%dma_start3A_736 : memref<8x1024xf32, #tpu.memory_space<vmem>>) target_semaphore(%arg8 : memref<!tpu.dma_semaphore, #tpu.memory_space<semaphore_mem>>)
      } else {
      }
      %mul3A_250 = arith.constant 4 : i32
      %mul3A_251 = arith.muli %add3A_170, %mul3A_250 : i32
      %add3A_252 = arith.constant 1 : i32
      %add3A_253 = arith.addi %mul3A_251, %add3A_252 : i32
      %and3A_254 = arith.constant 3 : i32
      %and3A_255 = arith.andi %add3A_253, %and3A_254 : i32
      %shift_right_arithmetic3A_256 = arith.constant 2 : i32
      %shift_right_arithmetic3A_257 = arith.shrsi %add3A_253, %shift_right_arithmetic3A_256 : i32
      %mul3A_258 = arith.constant 8 : i32
      %mul3A_259 = arith.muli %shift_right_arithmetic3A_257, %mul3A_258 : i32
      %add3A_260 = arith.addi %mul3A_2, %mul3A_259 : i32
      %dma_wait3A_261 = arith.constant 1 : i32
      %dma_wait3A_262 = arith.constant 0 : i32
      %dma_wait3A_263 = arith.constant 0 : i32
      %dma_wait3A_264 = tpu.memref_slice %arg5[%dma_wait3A_261, %dma_wait3A_262, %dma_wait3A_263] : memref<4x8x1024xf32, #tpu.memory_space<vmem>> -> memref<1x8x1024xf32, #tpu.memory_space<vmem>>
      %dma_wait3A_265 = tpu.memref_squeeze %dma_wait3A_264 : memref<1x8x1024xf32, #tpu.memory_space<vmem>> -> memref<8x1024xf32, #tpu.memory_space<vmem>>
      %dma_wait3A_266 = arith.constant 0 : i32
      %dma_wait3A_267 = tpu.memref_slice %arg2[%and3A_255, %add3A_260, %dma_wait3A_266] : memref<4x4096x1024xf32, #tpu.memory_space<hbm>> -> memref<1x8x1024xf32, #tpu.memory_space<hbm>>
      %dma_wait3A_268 = tpu.memref_squeeze %dma_wait3A_267 : memref<1x8x1024xf32, #tpu.memory_space<hbm>> -> memref<8x1024xf32, #tpu.memory_space<hbm>>
      %dma_wait3A_269 = arith.constant 0 : i32
      %dma_wait3A_270 = arith.constant 0 : i32
      %dma_wait3A_271 = tpu.memref_slice %arg5[%dma_wait3A_261, %dma_wait3A_269, %dma_wait3A_270] : memref<4x8x1024xf32, #tpu.memory_space<vmem>> -> memref<1x8x1024xf32, #tpu.memory_space<vmem>>
      %dma_wait3A_272 = tpu.memref_squeeze %dma_wait3A_271 : memref<1x8x1024xf32, #tpu.memory_space<vmem>> -> memref<8x1024xf32, #tpu.memory_space<vmem>>
      %dma_wait3A_273 = arith.constant 0 : i32
      %dma_wait3A_274 = tpu.memref_slice %arg2[%and3A_255, %add3A_260, %dma_wait3A_273] : memref<4x4096x1024xf32, #tpu.memory_space<hbm>> -> memref<1x8x1024xf32, #tpu.memory_space<hbm>>
      %dma_wait3A_275 = tpu.memref_squeeze %dma_wait3A_274 : memref<1x8x1024xf32, #tpu.memory_space<hbm>> -> memref<8x1024xf32, #tpu.memory_space<hbm>>
      tpu.wait_dma2 semaphore(%arg9 : memref<!tpu.dma_semaphore, #tpu.memory_space<semaphore_mem>>) src(%dma_wait3A_275 : memref<8x1024xf32, #tpu.memory_space<hbm>>) dst(%dma_wait3A_272 : memref<8x1024xf32, #tpu.memory_space<vmem>>)
      %ge3A_276 = arith.constant 4 : i32
      %ge3A_277 = arith.cmpi sge, %add3A_253, %ge3A_276 : i32
      %convert_element_type3A_278 = arith.extui %ge3A_277 : i1 to i32
      %cond3A_279 = arith.constant 0 : i32
      %cond3A_280 = arith.cmpi ne, %convert_element_type3A_278, %cond3A_279 : i32
      scf.if %cond3A_280 {
        %sub3A = arith.constant 4 : i32
        %sub3A_716 = arith.subi %add3A_253, %sub3A : i32
        %and3A_717 = arith.constant 3 : i32
        %and3A_718 = arith.andi %sub3A_716, %and3A_717 : i32
        %shift_right_arithmetic3A_719 = arith.constant 2 : i32
        %shift_right_arithmetic3A_720 = arith.shrsi %sub3A_716, %shift_right_arithmetic3A_719 : i32
        %mul3A_721 = arith.constant 8 : i32
        %mul3A_722 = arith.muli %shift_right_arithmetic3A_720, %mul3A_721 : i32
        %add3A_723 = arith.addi %mul3A_2, %mul3A_722 : i32
        %dma_wait3A_724 = arith.constant 1 : i32
        %dma_wait3A_725 = arith.constant 0 : i32
        %dma_wait3A_726 = arith.constant 0 : i32
        %dma_wait3A_727 = tpu.memref_slice %arg7[%dma_wait3A_724, %dma_wait3A_725, %dma_wait3A_726] : memref<4x8x1024xf32, #tpu.memory_space<vmem>> -> memref<1x8x1024xf32, #tpu.memory_space<vmem>>
        %dma_wait3A_728 = tpu.memref_squeeze %dma_wait3A_727 : memref<1x8x1024xf32, #tpu.memory_space<vmem>> -> memref<8x1024xf32, #tpu.memory_space<vmem>>
        %dma_wait3A_729 = arith.constant 0 : i32
        %dma_wait3A_730 = tpu.memref_slice %arg4[%and3A_718, %add3A_723, %dma_wait3A_729] : memref<4x4096x1024xf32, #tpu.memory_space<hbm>> -> memref<1x8x1024xf32, #tpu.memory_space<hbm>>
        %dma_wait3A_731 = tpu.memref_squeeze %dma_wait3A_730 : memref<1x8x1024xf32, #tpu.memory_space<hbm>> -> memref<8x1024xf32, #tpu.memory_space<hbm>>
        %dma_wait3A_732 = arith.constant 0 : i32
        %dma_wait3A_733 = tpu.memref_slice %arg4[%and3A_718, %add3A_723, %dma_wait3A_732] : memref<4x4096x1024xf32, #tpu.memory_space<hbm>> -> memref<1x8x1024xf32, #tpu.memory_space<hbm>>
        %dma_wait3A_734 = tpu.memref_squeeze %dma_wait3A_733 : memref<1x8x1024xf32, #tpu.memory_space<hbm>> -> memref<8x1024xf32, #tpu.memory_space<hbm>>
        %dma_wait3A_735 = arith.constant 0 : i32
        %dma_wait3A_736 = arith.constant 0 : i32
        %dma_wait3A_737 = tpu.memref_slice %arg7[%dma_wait3A_724, %dma_wait3A_735, %dma_wait3A_736] : memref<4x8x1024xf32, #tpu.memory_space<vmem>> -> memref<1x8x1024xf32, #tpu.memory_space<vmem>>
        %dma_wait3A_738 = tpu.memref_squeeze %dma_wait3A_737 : memref<1x8x1024xf32, #tpu.memory_space<vmem>> -> memref<8x1024xf32, #tpu.memory_space<vmem>>
        tpu.wait_dma2 semaphore(%arg15 : memref<!tpu.dma_semaphore, #tpu.memory_space<semaphore_mem>>) src(%dma_wait3A_738 : memref<8x1024xf32, #tpu.memory_space<vmem>>) dst(%dma_wait3A_734 : memref<8x1024xf32, #tpu.memory_space<hbm>>)
      } else {
      }
      %parallel_loop3A_281 = arith.constant 0 : i32
      %parallel_loop3A_282 = arith.constant 512 : i32
      %parallel_loop3A_283 = arith.constant 1 : i32
      scf.for %parallel_loop3A_716 = %parallel_loop3A_281 to %parallel_loop3A_282 step %parallel_loop3A_283  : i32 {
        %parallel_loop3A_717 = arith.constant 6 : i32
        %parallel_loop3A_718 = arith.shrsi %parallel_loop3A_716, %parallel_loop3A_717 : i32
        %parallel_loop3A_719 = arith.constant 63 : i32
        %parallel_loop3A_720 = arith.andi %parallel_loop3A_716, %parallel_loop3A_719 : i32
        %parallel_loop3A_721 = arith.constant 16 : i32
        %parallel_loop3A_722 = arith.muli %parallel_loop3A_720, %parallel_loop3A_721 : i32
        %parallel_loop3A_723 = arith.constant 1 : i32
        %parallel_loop3A_724 = arith.index_cast %parallel_loop3A_723 : i32 to index
        %parallel_loop3A_725 = arith.index_cast %parallel_loop3A_718 : i32 to index
        %parallel_loop3A_726 = arith.index_cast %parallel_loop3A_722 : i32 to index
        %parallel_loop3A_727 = tpu.vector_load %arg5[%parallel_loop3A_724, %parallel_loop3A_725, %parallel_loop3A_726] {strides = array<i32>} : memref<4x8x1024xf32, #tpu.memory_space<vmem>>, vector<1x1x16xf32>,
        %parallel_loop3A_728 = vector.shape_cast %parallel_loop3A_727 : vector<1x1x16xf32> to vector<16xf32>
        %parallel_loop3A_729 = arith.constant 0 : i32
        %parallel_loop3A_730 = arith.index_cast %parallel_loop3A_729 : i32 to index
        %parallel_loop3A_731 = arith.index_cast %parallel_loop3A_718 : i32 to index
        %parallel_loop3A_732 = arith.index_cast %parallel_loop3A_722 : i32 to index
        %parallel_loop3A_733 = tpu.vector_load %arg6[%parallel_loop3A_730, %parallel_loop3A_731, %parallel_loop3A_732] {strides = array<i32>} : memref<2x8x1024xf32, #tpu.memory_space<vmem>>, vector<1x1x16xf32>,
        %parallel_loop3A_734 = vector.shape_cast %parallel_loop3A_733 : vector<1x1x16xf32> to vector<16xf32>
        %parallel_loop3A_735 = arith.addf %parallel_loop3A_728, %parallel_loop3A_734 : vector<16xf32>
        %parallel_loop3A_736 = arith.constant 1 : i32
        %parallel_loop3A_737 = arith.index_cast %parallel_loop3A_736 : i32 to index
        %parallel_loop3A_738 = arith.index_cast %parallel_loop3A_718 : i32 to index
        %parallel_loop3A_739 = arith.index_cast %parallel_loop3A_722 : i32 to index
        %parallel_loop3A_740 = tpu.vector_load %arg7[%parallel_loop3A_737, %parallel_loop3A_738, %parallel_loop3A_739] {strides = array<i32>} : memref<4x8x1024xf32, #tpu.memory_space<vmem>>, vector<1x1x16xf32>,
        %parallel_loop3A_741 = vector.shape_cast %parallel_loop3A_740 : vector<1x1x16xf32> to vector<16xf32>
        %parallel_loop3A_742 = vector.shape_cast %parallel_loop3A_735 : vector<16xf32> to vector<1x1x16xf32>
        tpu.vector_store %arg7[%parallel_loop3A_737, %parallel_loop3A_738, %parallel_loop3A_739], %parallel_loop3A_742 {strides = array<i32>} : memref<4x8x1024xf32, #tpu.memory_space<vmem>>, vector<1x1x16xf32>,
      } {sc.loop_unroll_factor = 8 : i64, sc.parallel_access}
      %and3A_284 = arith.constant 3 : i32
      %and3A_285 = arith.andi %add3A_253, %and3A_284 : i32
      %shift_right_arithmetic3A_286 = arith.constant 2 : i32
      %shift_right_arithmetic3A_287 = arith.shrsi %add3A_253, %shift_right_arithmetic3A_286 : i32
      %mul3A_288 = arith.constant 8 : i32
      %mul3A_289 = arith.muli %shift_right_arithmetic3A_287, %mul3A_288 : i32
      %add3A_290 = arith.addi %mul3A_2, %mul3A_289 : i32
      %dma_start3A_291 = arith.constant 1 : i32
      %dma_start3A_292 = arith.constant 0 : i32
      %dma_start3A_293 = arith.constant 0 : i32
      %dma_start3A_294 = tpu.memref_slice %arg7[%dma_start3A_291, %dma_start3A_292, %dma_start3A_293] : memref<4x8x1024xf32, #tpu.memory_space<vmem>> -> memref<1x8x1024xf32, #tpu.memory_space<vmem>>
      %dma_start3A_295 = tpu.memref_squeeze %dma_start3A_294 : memref<1x8x1024xf32, #tpu.memory_space<vmem>> -> memref<8x1024xf32, #tpu.memory_space<vmem>>
      %dma_start3A_296 = arith.constant 0 : i32
      %dma_start3A_297 = tpu.memref_slice %arg4[%and3A_285, %add3A_290, %dma_start3A_296] : memref<4x4096x1024xf32, #tpu.memory_space<hbm>> -> memref<1x8x1024xf32, #tpu.memory_space<hbm>>
      %dma_start3A_298 = tpu.memref_squeeze %dma_start3A_297 : memref<1x8x1024xf32, #tpu.memory_space<hbm>> -> memref<8x1024xf32, #tpu.memory_space<hbm>>
      %dma_start3A_299 = arith.constant 0 : i32
      %dma_start3A_300 = tpu.memref_slice %arg4[%and3A_285, %add3A_290, %dma_start3A_299] : memref<4x4096x1024xf32, #tpu.memory_space<hbm>> -> memref<1x8x1024xf32, #tpu.memory_space<hbm>>
      %dma_start3A_301 = tpu.memref_squeeze %dma_start3A_300 : memref<1x8x1024xf32, #tpu.memory_space<hbm>> -> memref<8x1024xf32, #tpu.memory_space<hbm>>
      %dma_start3A_302 = arith.constant 0 : i32
      %dma_start3A_303 = arith.constant 0 : i32
      %dma_start3A_304 = tpu.memref_slice %arg7[%dma_start3A_291, %dma_start3A_302, %dma_start3A_303] : memref<4x8x1024xf32, #tpu.memory_space<vmem>> -> memref<1x8x1024xf32, #tpu.memory_space<vmem>>
      %dma_start3A_305 = tpu.memref_squeeze %dma_start3A_304 : memref<1x8x1024xf32, #tpu.memory_space<vmem>> -> memref<8x1024xf32, #tpu.memory_space<vmem>>
      tpu.enqueue_dma source(%dma_start3A_305 : memref<8x1024xf32, #tpu.memory_space<vmem>>) target(%dma_start3A_301 : memref<8x1024xf32, #tpu.memory_space<hbm>>) target_semaphore(%arg15 : memref<!tpu.dma_semaphore, #tpu.memory_space<semaphore_mem>>)
      %add3A_306 = arith.constant 4 : i32
      %add3A_307 = arith.addi %add3A_253, %add3A_306 : i32
      %lt3A_308 = arith.constant 64 : i32
      %lt3A_309 = arith.cmpi slt, %add3A_307, %lt3A_308 : i32
      %convert_element_type3A_310 = arith.extui %lt3A_309 : i1 to i32
      %cond3A_311 = arith.constant 0 : i32
      %cond3A_312 = arith.cmpi ne, %convert_element_type3A_310, %cond3A_311 : i32
      scf.if %cond3A_312 {
        %add3A_716 = arith.constant 4 : i32
        %add3A_717 = arith.addi %add3A_253, %add3A_716 : i32
        %and3A_718 = arith.constant 3 : i32
        %and3A_719 = arith.andi %add3A_717, %and3A_718 : i32
        %shift_right_arithmetic3A_720 = arith.constant 2 : i32
        %shift_right_arithmetic3A_721 = arith.shrsi %add3A_717, %shift_right_arithmetic3A_720 : i32
        %mul3A_722 = arith.constant 8 : i32
        %mul3A_723 = arith.muli %shift_right_arithmetic3A_721, %mul3A_722 : i32
        %add3A_724 = arith.addi %mul3A_2, %mul3A_723 : i32
        %dma_start3A_725 = arith.constant 1 : i32
        %dma_start3A_726 = arith.constant 0 : i32
        %dma_start3A_727 = arith.constant 0 : i32
        %dma_start3A_728 = tpu.memref_slice %arg5[%dma_start3A_725, %dma_start3A_726, %dma_start3A_727] : memref<4x8x1024xf32, #tpu.memory_space<vmem>> -> memref<1x8x1024xf32, #tpu.memory_space<vmem>>
        %dma_start3A_729 = tpu.memref_squeeze %dma_start3A_728 : memref<1x8x1024xf32, #tpu.memory_space<vmem>> -> memref<8x1024xf32, #tpu.memory_space<vmem>>
        %dma_start3A_730 = arith.constant 0 : i32
        %dma_start3A_731 = tpu.memref_slice %arg2[%and3A_719, %add3A_724, %dma_start3A_730] : memref<4x4096x1024xf32, #tpu.memory_space<hbm>> -> memref<1x8x1024xf32, #tpu.memory_space<hbm>>
        %dma_start3A_732 = tpu.memref_squeeze %dma_start3A_731 : memref<1x8x1024xf32, #tpu.memory_space<hbm>> -> memref<8x1024xf32, #tpu.memory_space<hbm>>
        %dma_start3A_733 = arith.constant 0 : i32
        %dma_start3A_734 = arith.constant 0 : i32
        %dma_start3A_735 = tpu.memref_slice %arg5[%dma_start3A_725, %dma_start3A_733, %dma_start3A_734] : memref<4x8x1024xf32, #tpu.memory_space<vmem>> -> memref<1x8x1024xf32, #tpu.memory_space<vmem>>
        %dma_start3A_736 = tpu.memref_squeeze %dma_start3A_735 : memref<1x8x1024xf32, #tpu.memory_space<vmem>> -> memref<8x1024xf32, #tpu.memory_space<vmem>>
        %dma_start3A_737 = arith.constant 0 : i32
        %dma_start3A_738 = tpu.memref_slice %arg2[%and3A_719, %add3A_724, %dma_start3A_737] : memref<4x4096x1024xf32, #tpu.memory_space<hbm>> -> memref<1x8x1024xf32, #tpu.memory_space<hbm>>
        %dma_start3A_739 = tpu.memref_squeeze %dma_start3A_738 : memref<1x8x1024xf32, #tpu.memory_space<hbm>> -> memref<8x1024xf32, #tpu.memory_space<hbm>>
        tpu.enqueue_dma source(%dma_start3A_739 : memref<8x1024xf32, #tpu.memory_space<hbm>>) target(%dma_start3A_736 : memref<8x1024xf32, #tpu.memory_space<vmem>>) target_semaphore(%arg9 : memref<!tpu.dma_semaphore, #tpu.memory_space<semaphore_mem>>)
      } else {
      }
      %mul3A_313 = arith.constant 4 : i32
      %mul3A_314 = arith.muli %add3A_170, %mul3A_313 : i32
      %add3A_315 = arith.constant 2 : i32
      %add3A_316 = arith.addi %mul3A_314, %add3A_315 : i32
      %and3A_317 = arith.constant 3 : i32
      %and3A_318 = arith.andi %add3A_316, %and3A_317 : i32
      %shift_right_arithmetic3A_319 = arith.constant 2 : i32
      %shift_right_arithmetic3A_320 = arith.shrsi %add3A_316, %shift_right_arithmetic3A_319 : i32
      %mul3A_321 = arith.constant 8 : i32
      %mul3A_322 = arith.muli %shift_right_arithmetic3A_320, %mul3A_321 : i32
      %add3A_323 = arith.addi %mul3A_2, %mul3A_322 : i32
      %dma_wait3A_324 = arith.constant 2 : i32
      %dma_wait3A_325 = arith.constant 0 : i32
      %dma_wait3A_326 = arith.constant 0 : i32
      %dma_wait3A_327 = tpu.memref_slice %arg5[%dma_wait3A_324, %dma_wait3A_325, %dma_wait3A_326] : memref<4x8x1024xf32, #tpu.memory_space<vmem>> -> memref<1x8x1024xf32, #tpu.memory_space<vmem>>
      %dma_wait3A_328 = tpu.memref_squeeze %dma_wait3A_327 : memref<1x8x1024xf32, #tpu.memory_space<vmem>> -> memref<8x1024xf32, #tpu.memory_space<vmem>>
      %dma_wait3A_329 = arith.constant 0 : i32
      %dma_wait3A_330 = tpu.memref_slice %arg2[%and3A_318, %add3A_323, %dma_wait3A_329] : memref<4x4096x1024xf32, #tpu.memory_space<hbm>> -> memref<1x8x1024xf32, #tpu.memory_space<hbm>>
      %dma_wait3A_331 = tpu.memref_squeeze %dma_wait3A_330 : memref<1x8x1024xf32, #tpu.memory_space<hbm>> -> memref<8x1024xf32, #tpu.memory_space<hbm>>
      %dma_wait3A_332 = arith.constant 0 : i32
      %dma_wait3A_333 = arith.constant 0 : i32
      %dma_wait3A_334 = tpu.memref_slice %arg5[%dma_wait3A_324, %dma_wait3A_332, %dma_wait3A_333] : memref<4x8x1024xf32, #tpu.memory_space<vmem>> -> memref<1x8x1024xf32, #tpu.memory_space<vmem>>
      %dma_wait3A_335 = tpu.memref_squeeze %dma_wait3A_334 : memref<1x8x1024xf32, #tpu.memory_space<vmem>> -> memref<8x1024xf32, #tpu.memory_space<vmem>>
      %dma_wait3A_336 = arith.constant 0 : i32
      %dma_wait3A_337 = tpu.memref_slice %arg2[%and3A_318, %add3A_323, %dma_wait3A_336] : memref<4x4096x1024xf32, #tpu.memory_space<hbm>> -> memref<1x8x1024xf32, #tpu.memory_space<hbm>>
      %dma_wait3A_338 = tpu.memref_squeeze %dma_wait3A_337 : memref<1x8x1024xf32, #tpu.memory_space<hbm>> -> memref<8x1024xf32, #tpu.memory_space<hbm>>
      tpu.wait_dma2 semaphore(%arg10 : memref<!tpu.dma_semaphore, #tpu.memory_space<semaphore_mem>>) src(%dma_wait3A_338 : memref<8x1024xf32, #tpu.memory_space<hbm>>) dst(%dma_wait3A_335 : memref<8x1024xf32, #tpu.memory_space<vmem>>)
      %ge3A_339 = arith.constant 4 : i32
      %ge3A_340 = arith.cmpi sge, %add3A_316, %ge3A_339 : i32
      %convert_element_type3A_341 = arith.extui %ge3A_340 : i1 to i32
      %cond3A_342 = arith.constant 0 : i32
      %cond3A_343 = arith.cmpi ne, %convert_element_type3A_341, %cond3A_342 : i32
      scf.if %cond3A_343 {
        %sub3A = arith.constant 4 : i32
        %sub3A_716 = arith.subi %add3A_316, %sub3A : i32
        %and3A_717 = arith.constant 3 : i32
        %and3A_718 = arith.andi %sub3A_716, %and3A_717 : i32
        %shift_right_arithmetic3A_719 = arith.constant 2 : i32
        %shift_right_arithmetic3A_720 = arith.shrsi %sub3A_716, %shift_right_arithmetic3A_719 : i32
        %mul3A_721 = arith.constant 8 : i32
        %mul3A_722 = arith.muli %shift_right_arithmetic3A_720, %mul3A_721 : i32
        %add3A_723 = arith.addi %mul3A_2, %mul3A_722 : i32
        %dma_wait3A_724 = arith.constant 2 : i32
        %dma_wait3A_725 = arith.constant 0 : i32
        %dma_wait3A_726 = arith.constant 0 : i32
        %dma_wait3A_727 = tpu.memref_slice %arg7[%dma_wait3A_724, %dma_wait3A_725, %dma_wait3A_726] : memref<4x8x1024xf32, #tpu.memory_space<vmem>> -> memref<1x8x1024xf32, #tpu.memory_space<vmem>>
        %dma_wait3A_728 = tpu.memref_squeeze %dma_wait3A_727 : memref<1x8x1024xf32, #tpu.memory_space<vmem>> -> memref<8x1024xf32, #tpu.memory_space<vmem>>
        %dma_wait3A_729 = arith.constant 0 : i32
        %dma_wait3A_730 = tpu.memref_slice %arg4[%and3A_718, %add3A_723, %dma_wait3A_729] : memref<4x4096x1024xf32, #tpu.memory_space<hbm>> -> memref<1x8x1024xf32, #tpu.memory_space<hbm>>
        %dma_wait3A_731 = tpu.memref_squeeze %dma_wait3A_730 : memref<1x8x1024xf32, #tpu.memory_space<hbm>> -> memref<8x1024xf32, #tpu.memory_space<hbm>>
        %dma_wait3A_732 = arith.constant 0 : i32
        %dma_wait3A_733 = tpu.memref_slice %arg4[%and3A_718, %add3A_723, %dma_wait3A_732] : memref<4x4096x1024xf32, #tpu.memory_space<hbm>> -> memref<1x8x1024xf32, #tpu.memory_space<hbm>>
        %dma_wait3A_734 = tpu.memref_squeeze %dma_wait3A_733 : memref<1x8x1024xf32, #tpu.memory_space<hbm>> -> memref<8x1024xf32, #tpu.memory_space<hbm>>
        %dma_wait3A_735 = arith.constant 0 : i32
        %dma_wait3A_736 = arith.constant 0 : i32
        %dma_wait3A_737 = tpu.memref_slice %arg7[%dma_wait3A_724, %dma_wait3A_735, %dma_wait3A_736] : memref<4x8x1024xf32, #tpu.memory_space<vmem>> -> memref<1x8x1024xf32, #tpu.memory_space<vmem>>
        %dma_wait3A_738 = tpu.memref_squeeze %dma_wait3A_737 : memref<1x8x1024xf32, #tpu.memory_space<vmem>> -> memref<8x1024xf32, #tpu.memory_space<vmem>>
        tpu.wait_dma2 semaphore(%arg16 : memref<!tpu.dma_semaphore, #tpu.memory_space<semaphore_mem>>) src(%dma_wait3A_738 : memref<8x1024xf32, #tpu.memory_space<vmem>>) dst(%dma_wait3A_734 : memref<8x1024xf32, #tpu.memory_space<hbm>>)
      } else {
      }
      %parallel_loop3A_344 = arith.constant 0 : i32
      %parallel_loop3A_345 = arith.constant 512 : i32
      %parallel_loop3A_346 = arith.constant 1 : i32
      scf.for %parallel_loop3A_716 = %parallel_loop3A_344 to %parallel_loop3A_345 step %parallel_loop3A_346  : i32 {
        %parallel_loop3A_717 = arith.constant 6 : i32
        %parallel_loop3A_718 = arith.shrsi %parallel_loop3A_716, %parallel_loop3A_717 : i32
        %parallel_loop3A_719 = arith.constant 63 : i32
        %parallel_loop3A_720 = arith.andi %parallel_loop3A_716, %parallel_loop3A_719 : i32
        %parallel_loop3A_721 = arith.constant 16 : i32
        %parallel_loop3A_722 = arith.muli %parallel_loop3A_720, %parallel_loop3A_721 : i32
        %parallel_loop3A_723 = arith.constant 2 : i32
        %parallel_loop3A_724 = arith.index_cast %parallel_loop3A_723 : i32 to index
        %parallel_loop3A_725 = arith.index_cast %parallel_loop3A_718 : i32 to index
        %parallel_loop3A_726 = arith.index_cast %parallel_loop3A_722 : i32 to index
        %parallel_loop3A_727 = tpu.vector_load %arg5[%parallel_loop3A_724, %parallel_loop3A_725, %parallel_loop3A_726] {strides = array<i32>} : memref<4x8x1024xf32, #tpu.memory_space<vmem>>, vector<1x1x16xf32>,
        %parallel_loop3A_728 = vector.shape_cast %parallel_loop3A_727 : vector<1x1x16xf32> to vector<16xf32>
        %parallel_loop3A_729 = arith.constant 0 : i32
        %parallel_loop3A_730 = arith.index_cast %parallel_loop3A_729 : i32 to index
        %parallel_loop3A_731 = arith.index_cast %parallel_loop3A_718 : i32 to index
        %parallel_loop3A_732 = arith.index_cast %parallel_loop3A_722 : i32 to index
        %parallel_loop3A_733 = tpu.vector_load %arg6[%parallel_loop3A_730, %parallel_loop3A_731, %parallel_loop3A_732] {strides = array<i32>} : memref<2x8x1024xf32, #tpu.memory_space<vmem>>, vector<1x1x16xf32>,
        %parallel_loop3A_734 = vector.shape_cast %parallel_loop3A_733 : vector<1x1x16xf32> to vector<16xf32>
        %parallel_loop3A_735 = arith.addf %parallel_loop3A_728, %parallel_loop3A_734 : vector<16xf32>
        %parallel_loop3A_736 = arith.constant 2 : i32
        %parallel_loop3A_737 = arith.index_cast %parallel_loop3A_736 : i32 to index
        %parallel_loop3A_738 = arith.index_cast %parallel_loop3A_718 : i32 to index
        %parallel_loop3A_739 = arith.index_cast %parallel_loop3A_722 : i32 to index
        %parallel_loop3A_740 = tpu.vector_load %arg7[%parallel_loop3A_737, %parallel_loop3A_738, %parallel_loop3A_739] {strides = array<i32>} : memref<4x8x1024xf32, #tpu.memory_space<vmem>>, vector<1x1x16xf32>,
        %parallel_loop3A_741 = vector.shape_cast %parallel_loop3A_740 : vector<1x1x16xf32> to vector<16xf32>
        %parallel_loop3A_742 = vector.shape_cast %parallel_loop3A_735 : vector<16xf32> to vector<1x1x16xf32>
        tpu.vector_store %arg7[%parallel_loop3A_737, %parallel_loop3A_738, %parallel_loop3A_739], %parallel_loop3A_742 {strides = array<i32>} : memref<4x8x1024xf32, #tpu.memory_space<vmem>>, vector<1x1x16xf32>,
      } {sc.loop_unroll_factor = 8 : i64, sc.parallel_access}
      %and3A_347 = arith.constant 3 : i32
      %and3A_348 = arith.andi %add3A_316, %and3A_347 : i32
      %shift_right_arithmetic3A_349 = arith.constant 2 : i32
      %shift_right_arithmetic3A_350 = arith.shrsi %add3A_316, %shift_right_arithmetic3A_349 : i32
      %mul3A_351 = arith.constant 8 : i32
      %mul3A_352 = arith.muli %shift_right_arithmetic3A_350, %mul3A_351 : i32
      %add3A_353 = arith.addi %mul3A_2, %mul3A_352 : i32
      %dma_start3A_354 = arith.constant 2 : i32
      %dma_start3A_355 = arith.constant 0 : i32
      %dma_start3A_356 = arith.constant 0 : i32
      %dma_start3A_357 = tpu.memref_slice %arg7[%dma_start3A_354, %dma_start3A_355, %dma_start3A_356] : memref<4x8x1024xf32, #tpu.memory_space<vmem>> -> memref<1x8x1024xf32, #tpu.memory_space<vmem>>
      %dma_start3A_358 = tpu.memref_squeeze %dma_start3A_357 : memref<1x8x1024xf32, #tpu.memory_space<vmem>> -> memref<8x1024xf32, #tpu.memory_space<vmem>>
      %dma_start3A_359 = arith.constant 0 : i32
      %dma_start3A_360 = tpu.memref_slice %arg4[%and3A_348, %add3A_353, %dma_start3A_359] : memref<4x4096x1024xf32, #tpu.memory_space<hbm>> -> memref<1x8x1024xf32, #tpu.memory_space<hbm>>
      %dma_start3A_361 = tpu.memref_squeeze %dma_start3A_360 : memref<1x8x1024xf32, #tpu.memory_space<hbm>> -> memref<8x1024xf32, #tpu.memory_space<hbm>>
      %dma_start3A_362 = arith.constant 0 : i32
      %dma_start3A_363 = tpu.memref_slice %arg4[%and3A_348, %add3A_353, %dma_start3A_362] : memref<4x4096x1024xf32, #tpu.memory_space<hbm>> -> memref<1x8x1024xf32, #tpu.memory_space<hbm>>
      %dma_start3A_364 = tpu.memref_squeeze %dma_start3A_363 : memref<1x8x1024xf32, #tpu.memory_space<hbm>> -> memref<8x1024xf32, #tpu.memory_space<hbm>>
      %dma_start3A_365 = arith.constant 0 : i32
      %dma_start3A_366 = arith.constant 0 : i32
      %dma_start3A_367 = tpu.memref_slice %arg7[%dma_start3A_354, %dma_start3A_365, %dma_start3A_366] : memref<4x8x1024xf32, #tpu.memory_space<vmem>> -> memref<1x8x1024xf32, #tpu.memory_space<vmem>>
      %dma_start3A_368 = tpu.memref_squeeze %dma_start3A_367 : memref<1x8x1024xf32, #tpu.memory_space<vmem>> -> memref<8x1024xf32, #tpu.memory_space<vmem>>
      tpu.enqueue_dma source(%dma_start3A_368 : memref<8x1024xf32, #tpu.memory_space<vmem>>) target(%dma_start3A_364 : memref<8x1024xf32, #tpu.memory_space<hbm>>) target_semaphore(%arg16 : memref<!tpu.dma_semaphore, #tpu.memory_space<semaphore_mem>>)
      %add3A_369 = arith.constant 4 : i32
      %add3A_370 = arith.addi %add3A_316, %add3A_369 : i32
      %lt3A_371 = arith.constant 64 : i32
      %lt3A_372 = arith.cmpi slt, %add3A_370, %lt3A_371 : i32
      %convert_element_type3A_373 = arith.extui %lt3A_372 : i1 to i32
      %cond3A_374 = arith.constant 0 : i32
      %cond3A_375 = arith.cmpi ne, %convert_element_type3A_373, %cond3A_374 : i32
      scf.if %cond3A_375 {
        %add3A_716 = arith.constant 4 : i32
        %add3A_717 = arith.addi %add3A_316, %add3A_716 : i32
        %and3A_718 = arith.constant 3 : i32
        %and3A_719 = arith.andi %add3A_717, %and3A_718 : i32
        %shift_right_arithmetic3A_720 = arith.constant 2 : i32
        %shift_right_arithmetic3A_721 = arith.shrsi %add3A_717, %shift_right_arithmetic3A_720 : i32
        %mul3A_722 = arith.constant 8 : i32
        %mul3A_723 = arith.muli %shift_right_arithmetic3A_721, %mul3A_722 : i32
        %add3A_724 = arith.addi %mul3A_2, %mul3A_723 : i32
        %dma_start3A_725 = arith.constant 2 : i32
        %dma_start3A_726 = arith.constant 0 : i32
        %dma_start3A_727 = arith.constant 0 : i32
        %dma_start3A_728 = tpu.memref_slice %arg5[%dma_start3A_725, %dma_start3A_726, %dma_start3A_727] : memref<4x8x1024xf32, #tpu.memory_space<vmem>> -> memref<1x8x1024xf32, #tpu.memory_space<vmem>>
        %dma_start3A_729 = tpu.memref_squeeze %dma_start3A_728 : memref<1x8x1024xf32, #tpu.memory_space<vmem>> -> memref<8x1024xf32, #tpu.memory_space<vmem>>
        %dma_start3A_730 = arith.constant 0 : i32
        %dma_start3A_731 = tpu.memref_slice %arg2[%and3A_719, %add3A_724, %dma_start3A_730] : memref<4x4096x1024xf32, #tpu.memory_space<hbm>> -> memref<1x8x1024xf32, #tpu.memory_space<hbm>>
        %dma_start3A_732 = tpu.memref_squeeze %dma_start3A_731 : memref<1x8x1024xf32, #tpu.memory_space<hbm>> -> memref<8x1024xf32, #tpu.memory_space<hbm>>
        %dma_start3A_733 = arith.constant 0 : i32
        %dma_start3A_734 = arith.constant 0 : i32
        %dma_start3A_735 = tpu.memref_slice %arg5[%dma_start3A_725, %dma_start3A_733, %dma_start3A_734] : memref<4x8x1024xf32, #tpu.memory_space<vmem>> -> memref<1x8x1024xf32, #tpu.memory_space<vmem>>
        %dma_start3A_736 = tpu.memref_squeeze %dma_start3A_735 : memref<1x8x1024xf32, #tpu.memory_space<vmem>> -> memref<8x1024xf32, #tpu.memory_space<vmem>>
        %dma_start3A_737 = arith.constant 0 : i32
        %dma_start3A_738 = tpu.memref_slice %arg2[%and3A_719, %add3A_724, %dma_start3A_737] : memref<4x4096x1024xf32, #tpu.memory_space<hbm>> -> memref<1x8x1024xf32, #tpu.memory_space<hbm>>
        %dma_start3A_739 = tpu.memref_squeeze %dma_start3A_738 : memref<1x8x1024xf32, #tpu.memory_space<hbm>> -> memref<8x1024xf32, #tpu.memory_space<hbm>>
        tpu.enqueue_dma source(%dma_start3A_739 : memref<8x1024xf32, #tpu.memory_space<hbm>>) target(%dma_start3A_736 : memref<8x1024xf32, #tpu.memory_space<vmem>>) target_semaphore(%arg10 : memref<!tpu.dma_semaphore, #tpu.memory_space<semaphore_mem>>)
      } else {
      }
      %mul3A_376 = arith.constant 4 : i32
      %mul3A_377 = arith.muli %add3A_170, %mul3A_376 : i32
      %add3A_378 = arith.constant 3 : i32
      %add3A_379 = arith.addi %mul3A_377, %add3A_378 : i32
      %and3A_380 = arith.constant 3 : i32
      %and3A_381 = arith.andi %add3A_379, %and3A_380 : i32
      %shift_right_arithmetic3A_382 = arith.constant 2 : i32
      %shift_right_arithmetic3A_383 = arith.shrsi %add3A_379, %shift_right_arithmetic3A_382 : i32
      %mul3A_384 = arith.constant 8 : i32
      %mul3A_385 = arith.muli %shift_right_arithmetic3A_383, %mul3A_384 : i32
      %add3A_386 = arith.addi %mul3A_2, %mul3A_385 : i32
      %dma_wait3A_387 = arith.constant 3 : i32
      %dma_wait3A_388 = arith.constant 0 : i32
      %dma_wait3A_389 = arith.constant 0 : i32
      %dma_wait3A_390 = tpu.memref_slice %arg5[%dma_wait3A_387, %dma_wait3A_388, %dma_wait3A_389] : memref<4x8x1024xf32, #tpu.memory_space<vmem>> -> memref<1x8x1024xf32, #tpu.memory_space<vmem>>
      %dma_wait3A_391 = tpu.memref_squeeze %dma_wait3A_390 : memref<1x8x1024xf32, #tpu.memory_space<vmem>> -> memref<8x1024xf32, #tpu.memory_space<vmem>>
      %dma_wait3A_392 = arith.constant 0 : i32
      %dma_wait3A_393 = tpu.memref_slice %arg2[%and3A_381, %add3A_386, %dma_wait3A_392] : memref<4x4096x1024xf32, #tpu.memory_space<hbm>> -> memref<1x8x1024xf32, #tpu.memory_space<hbm>>
      %dma_wait3A_394 = tpu.memref_squeeze %dma_wait3A_393 : memref<1x8x1024xf32, #tpu.memory_space<hbm>> -> memref<8x1024xf32, #tpu.memory_space<hbm>>
      %dma_wait3A_395 = arith.constant 0 : i32
      %dma_wait3A_396 = arith.constant 0 : i32
      %dma_wait3A_397 = tpu.memref_slice %arg5[%dma_wait3A_387, %dma_wait3A_395, %dma_wait3A_396] : memref<4x8x1024xf32, #tpu.memory_space<vmem>> -> memref<1x8x1024xf32, #tpu.memory_space<vmem>>
      %dma_wait3A_398 = tpu.memref_squeeze %dma_wait3A_397 : memref<1x8x1024xf32, #tpu.memory_space<vmem>> -> memref<8x1024xf32, #tpu.memory_space<vmem>>
      %dma_wait3A_399 = arith.constant 0 : i32
      %dma_wait3A_400 = tpu.memref_slice %arg2[%and3A_381, %add3A_386, %dma_wait3A_399] : memref<4x4096x1024xf32, #tpu.memory_space<hbm>> -> memref<1x8x1024xf32, #tpu.memory_space<hbm>>
      %dma_wait3A_401 = tpu.memref_squeeze %dma_wait3A_400 : memref<1x8x1024xf32, #tpu.memory_space<hbm>> -> memref<8x1024xf32, #tpu.memory_space<hbm>>
      tpu.wait_dma2 semaphore(%arg11 : memref<!tpu.dma_semaphore, #tpu.memory_space<semaphore_mem>>) src(%dma_wait3A_401 : memref<8x1024xf32, #tpu.memory_space<hbm>>) dst(%dma_wait3A_398 : memref<8x1024xf32, #tpu.memory_space<vmem>>)
      %ge3A_402 = arith.constant 4 : i32
      %ge3A_403 = arith.cmpi sge, %add3A_379, %ge3A_402 : i32
      %convert_element_type3A_404 = arith.extui %ge3A_403 : i1 to i32
      %cond3A_405 = arith.constant 0 : i32
      %cond3A_406 = arith.cmpi ne, %convert_element_type3A_404, %cond3A_405 : i32
      scf.if %cond3A_406 {
        %sub3A = arith.constant 4 : i32
        %sub3A_716 = arith.subi %add3A_379, %sub3A : i32
        %and3A_717 = arith.constant 3 : i32
        %and3A_718 = arith.andi %sub3A_716, %and3A_717 : i32
        %shift_right_arithmetic3A_719 = arith.constant 2 : i32
        %shift_right_arithmetic3A_720 = arith.shrsi %sub3A_716, %shift_right_arithmetic3A_719 : i32
        %mul3A_721 = arith.constant 8 : i32
        %mul3A_722 = arith.muli %shift_right_arithmetic3A_720, %mul3A_721 : i32
        %add3A_723 = arith.addi %mul3A_2, %mul3A_722 : i32
        %dma_wait3A_724 = arith.constant 3 : i32
        %dma_wait3A_725 = arith.constant 0 : i32
        %dma_wait3A_726 = arith.constant 0 : i32
        %dma_wait3A_727 = tpu.memref_slice %arg7[%dma_wait3A_724, %dma_wait3A_725, %dma_wait3A_726] : memref<4x8x1024xf32, #tpu.memory_space<vmem>> -> memref<1x8x1024xf32, #tpu.memory_space<vmem>>
        %dma_wait3A_728 = tpu.memref_squeeze %dma_wait3A_727 : memref<1x8x1024xf32, #tpu.memory_space<vmem>> -> memref<8x1024xf32, #tpu.memory_space<vmem>>
        %dma_wait3A_729 = arith.constant 0 : i32
        %dma_wait3A_730 = tpu.memref_slice %arg4[%and3A_718, %add3A_723, %dma_wait3A_729] : memref<4x4096x1024xf32, #tpu.memory_space<hbm>> -> memref<1x8x1024xf32, #tpu.memory_space<hbm>>
        %dma_wait3A_731 = tpu.memref_squeeze %dma_wait3A_730 : memref<1x8x1024xf32, #tpu.memory_space<hbm>> -> memref<8x1024xf32, #tpu.memory_space<hbm>>
        %dma_wait3A_732 = arith.constant 0 : i32
        %dma_wait3A_733 = tpu.memref_slice %arg4[%and3A_718, %add3A_723, %dma_wait3A_732] : memref<4x4096x1024xf32, #tpu.memory_space<hbm>> -> memref<1x8x1024xf32, #tpu.memory_space<hbm>>
        %dma_wait3A_734 = tpu.memref_squeeze %dma_wait3A_733 : memref<1x8x1024xf32, #tpu.memory_space<hbm>> -> memref<8x1024xf32, #tpu.memory_space<hbm>>
        %dma_wait3A_735 = arith.constant 0 : i32
        %dma_wait3A_736 = arith.constant 0 : i32
        %dma_wait3A_737 = tpu.memref_slice %arg7[%dma_wait3A_724, %dma_wait3A_735, %dma_wait3A_736] : memref<4x8x1024xf32, #tpu.memory_space<vmem>> -> memref<1x8x1024xf32, #tpu.memory_space<vmem>>
        %dma_wait3A_738 = tpu.memref_squeeze %dma_wait3A_737 : memref<1x8x1024xf32, #tpu.memory_space<vmem>> -> memref<8x1024xf32, #tpu.memory_space<vmem>>
        tpu.wait_dma2 semaphore(%arg17 : memref<!tpu.dma_semaphore, #tpu.memory_space<semaphore_mem>>) src(%dma_wait3A_738 : memref<8x1024xf32, #tpu.memory_space<vmem>>) dst(%dma_wait3A_734 : memref<8x1024xf32, #tpu.memory_space<hbm>>)
      } else {
      }
      %parallel_loop3A_407 = arith.constant 0 : i32
      %parallel_loop3A_408 = arith.constant 512 : i32
      %parallel_loop3A_409 = arith.constant 1 : i32
      scf.for %parallel_loop3A_716 = %parallel_loop3A_407 to %parallel_loop3A_408 step %parallel_loop3A_409  : i32 {
        %parallel_loop3A_717 = arith.constant 6 : i32
        %parallel_loop3A_718 = arith.shrsi %parallel_loop3A_716, %parallel_loop3A_717 : i32
        %parallel_loop3A_719 = arith.constant 63 : i32
        %parallel_loop3A_720 = arith.andi %parallel_loop3A_716, %parallel_loop3A_719 : i32
        %parallel_loop3A_721 = arith.constant 16 : i32
        %parallel_loop3A_722 = arith.muli %parallel_loop3A_720, %parallel_loop3A_721 : i32
        %parallel_loop3A_723 = arith.constant 3 : i32
        %parallel_loop3A_724 = arith.index_cast %parallel_loop3A_723 : i32 to index
        %parallel_loop3A_725 = arith.index_cast %parallel_loop3A_718 : i32 to index
        %parallel_loop3A_726 = arith.index_cast %parallel_loop3A_722 : i32 to index
        %parallel_loop3A_727 = tpu.vector_load %arg5[%parallel_loop3A_724, %parallel_loop3A_725, %parallel_loop3A_726] {strides = array<i32>} : memref<4x8x1024xf32, #tpu.memory_space<vmem>>, vector<1x1x16xf32>,
        %parallel_loop3A_728 = vector.shape_cast %parallel_loop3A_727 : vector<1x1x16xf32> to vector<16xf32>
        %parallel_loop3A_729 = arith.constant 0 : i32
        %parallel_loop3A_730 = arith.index_cast %parallel_loop3A_729 : i32 to index
        %parallel_loop3A_731 = arith.index_cast %parallel_loop3A_718 : i32 to index
        %parallel_loop3A_732 = arith.index_cast %parallel_loop3A_722 : i32 to index
        %parallel_loop3A_733 = tpu.vector_load %arg6[%parallel_loop3A_730, %parallel_loop3A_731, %parallel_loop3A_732] {strides = array<i32>} : memref<2x8x1024xf32, #tpu.memory_space<vmem>>, vector<1x1x16xf32>,
        %parallel_loop3A_734 = vector.shape_cast %parallel_loop3A_733 : vector<1x1x16xf32> to vector<16xf32>
        %parallel_loop3A_735 = arith.addf %parallel_loop3A_728, %parallel_loop3A_734 : vector<16xf32>
        %parallel_loop3A_736 = arith.constant 3 : i32
        %parallel_loop3A_737 = arith.index_cast %parallel_loop3A_736 : i32 to index
        %parallel_loop3A_738 = arith.index_cast %parallel_loop3A_718 : i32 to index
        %parallel_loop3A_739 = arith.index_cast %parallel_loop3A_722 : i32 to index
        %parallel_loop3A_740 = tpu.vector_load %arg7[%parallel_loop3A_737, %parallel_loop3A_738, %parallel_loop3A_739] {strides = array<i32>} : memref<4x8x1024xf32, #tpu.memory_space<vmem>>, vector<1x1x16xf32>,
        %parallel_loop3A_741 = vector.shape_cast %parallel_loop3A_740 : vector<1x1x16xf32> to vector<16xf32>
        %parallel_loop3A_742 = vector.shape_cast %parallel_loop3A_735 : vector<16xf32> to vector<1x1x16xf32>
        tpu.vector_store %arg7[%parallel_loop3A_737, %parallel_loop3A_738, %parallel_loop3A_739], %parallel_loop3A_742 {strides = array<i32>} : memref<4x8x1024xf32, #tpu.memory_space<vmem>>, vector<1x1x16xf32>,
      } {sc.loop_unroll_factor = 8 : i64, sc.parallel_access}
      %and3A_410 = arith.constant 3 : i32
      %and3A_411 = arith.andi %add3A_379, %and3A_410 : i32
      %shift_right_arithmetic3A_412 = arith.constant 2 : i32
      %shift_right_arithmetic3A_413 = arith.shrsi %add3A_379, %shift_right_arithmetic3A_412 : i32
      %mul3A_414 = arith.constant 8 : i32
      %mul3A_415 = arith.muli %shift_right_arithmetic3A_413, %mul3A_414 : i32
      %add3A_416 = arith.addi %mul3A_2, %mul3A_415 : i32
      %dma_start3A_417 = arith.constant 3 : i32
      %dma_start3A_418 = arith.constant 0 : i32
      %dma_start3A_419 = arith.constant 0 : i32
      %dma_start3A_420 = tpu.memref_slice %arg7[%dma_start3A_417, %dma_start3A_418, %dma_start3A_419] : memref<4x8x1024xf32, #tpu.memory_space<vmem>> -> memref<1x8x1024xf32, #tpu.memory_space<vmem>>
      %dma_start3A_421 = tpu.memref_squeeze %dma_start3A_420 : memref<1x8x1024xf32, #tpu.memory_space<vmem>> -> memref<8x1024xf32, #tpu.memory_space<vmem>>
      %dma_start3A_422 = arith.constant 0 : i32
      %dma_start3A_423 = tpu.memref_slice %arg4[%and3A_411, %add3A_416, %dma_start3A_422] : memref<4x4096x1024xf32, #tpu.memory_space<hbm>> -> memref<1x8x1024xf32, #tpu.memory_space<hbm>>
      %dma_start3A_424 = tpu.memref_squeeze %dma_start3A_423 : memref<1x8x1024xf32, #tpu.memory_space<hbm>> -> memref<8x1024xf32, #tpu.memory_space<hbm>>
      %dma_start3A_425 = arith.constant 0 : i32
      %dma_start3A_426 = tpu.memref_slice %arg4[%and3A_411, %add3A_416, %dma_start3A_425] : memref<4x4096x1024xf32, #tpu.memory_space<hbm>> -> memref<1x8x1024xf32, #tpu.memory_space<hbm>>
      %dma_start3A_427 = tpu.memref_squeeze %dma_start3A_426 : memref<1x8x1024xf32, #tpu.memory_space<hbm>> -> memref<8x1024xf32, #tpu.memory_space<hbm>>
      %dma_start3A_428 = arith.constant 0 : i32
      %dma_start3A_429 = arith.constant 0 : i32
      %dma_start3A_430 = tpu.memref_slice %arg7[%dma_start3A_417, %dma_start3A_428, %dma_start3A_429] : memref<4x8x1024xf32, #tpu.memory_space<vmem>> -> memref<1x8x1024xf32, #tpu.memory_space<vmem>>
      %dma_start3A_431 = tpu.memref_squeeze %dma_start3A_430 : memref<1x8x1024xf32, #tpu.memory_space<vmem>> -> memref<8x1024xf32, #tpu.memory_space<vmem>>
      tpu.enqueue_dma source(%dma_start3A_431 : memref<8x1024xf32, #tpu.memory_space<vmem>>) target(%dma_start3A_427 : memref<8x1024xf32, #tpu.memory_space<hbm>>) target_semaphore(%arg17 : memref<!tpu.dma_semaphore, #tpu.memory_space<semaphore_mem>>)
      %add3A_432 = arith.constant 4 : i32
      %add3A_433 = arith.addi %add3A_379, %add3A_432 : i32
      %lt3A_434 = arith.constant 64 : i32
      %lt3A_435 = arith.cmpi slt, %add3A_433, %lt3A_434 : i32
      %convert_element_type3A_436 = arith.extui %lt3A_435 : i1 to i32
      %cond3A_437 = arith.constant 0 : i32
      %cond3A_438 = arith.cmpi ne, %convert_element_type3A_436, %cond3A_437 : i32
      scf.if %cond3A_438 {
        %add3A_716 = arith.constant 4 : i32
        %add3A_717 = arith.addi %add3A_379, %add3A_716 : i32
        %and3A_718 = arith.constant 3 : i32
        %and3A_719 = arith.andi %add3A_717, %and3A_718 : i32
        %shift_right_arithmetic3A_720 = arith.constant 2 : i32
        %shift_right_arithmetic3A_721 = arith.shrsi %add3A_717, %shift_right_arithmetic3A_720 : i32
        %mul3A_722 = arith.constant 8 : i32
        %mul3A_723 = arith.muli %shift_right_arithmetic3A_721, %mul3A_722 : i32
        %add3A_724 = arith.addi %mul3A_2, %mul3A_723 : i32
        %dma_start3A_725 = arith.constant 3 : i32
        %dma_start3A_726 = arith.constant 0 : i32
        %dma_start3A_727 = arith.constant 0 : i32
        %dma_start3A_728 = tpu.memref_slice %arg5[%dma_start3A_725, %dma_start3A_726, %dma_start3A_727] : memref<4x8x1024xf32, #tpu.memory_space<vmem>> -> memref<1x8x1024xf32, #tpu.memory_space<vmem>>
        %dma_start3A_729 = tpu.memref_squeeze %dma_start3A_728 : memref<1x8x1024xf32, #tpu.memory_space<vmem>> -> memref<8x1024xf32, #tpu.memory_space<vmem>>
        %dma_start3A_730 = arith.constant 0 : i32
        %dma_start3A_731 = tpu.memref_slice %arg2[%and3A_719, %add3A_724, %dma_start3A_730] : memref<4x4096x1024xf32, #tpu.memory_space<hbm>> -> memref<1x8x1024xf32, #tpu.memory_space<hbm>>
        %dma_start3A_732 = tpu.memref_squeeze %dma_start3A_731 : memref<1x8x1024xf32, #tpu.memory_space<hbm>> -> memref<8x1024xf32, #tpu.memory_space<hbm>>
        %dma_start3A_733 = arith.constant 0 : i32
        %dma_start3A_734 = arith.constant 0 : i32
        %dma_start3A_735 = tpu.memref_slice %arg5[%dma_start3A_725, %dma_start3A_733, %dma_start3A_734] : memref<4x8x1024xf32, #tpu.memory_space<vmem>> -> memref<1x8x1024xf32, #tpu.memory_space<vmem>>
        %dma_start3A_736 = tpu.memref_squeeze %dma_start3A_735 : memref<1x8x1024xf32, #tpu.memory_space<vmem>> -> memref<8x1024xf32, #tpu.memory_space<vmem>>
        %dma_start3A_737 = arith.constant 0 : i32
        %dma_start3A_738 = tpu.memref_slice %arg2[%and3A_719, %add3A_724, %dma_start3A_737] : memref<4x4096x1024xf32, #tpu.memory_space<hbm>> -> memref<1x8x1024xf32, #tpu.memory_space<hbm>>
        %dma_start3A_739 = tpu.memref_squeeze %dma_start3A_738 : memref<1x8x1024xf32, #tpu.memory_space<hbm>> -> memref<8x1024xf32, #tpu.memory_space<hbm>>
        tpu.enqueue_dma source(%dma_start3A_739 : memref<8x1024xf32, #tpu.memory_space<hbm>>) target(%dma_start3A_736 : memref<8x1024xf32, #tpu.memory_space<vmem>>) target_semaphore(%arg11 : memref<!tpu.dma_semaphore, #tpu.memory_space<semaphore_mem>>)
      } else {
      }
      %add3A_439 = arith.constant 1 : i32
      %add3A_440 = arith.addi %add3A_168, %add3A_439 : i32
      %mul3A_441 = arith.constant 8 : i32
      %mul3A_442 = arith.muli %add3A_440, %mul3A_441 : i32
      %add3A_443 = arith.addi %mul3A_2, %mul3A_442 : i32
      %dma_wait3A_444 = arith.constant 1 : i32
      %dma_wait3A_445 = arith.constant 0 : i32
      %dma_wait3A_446 = arith.constant 0 : i32
      %dma_wait3A_447 = tpu.memref_slice %arg6[%dma_wait3A_444, %dma_wait3A_445, %dma_wait3A_446] : memref<2x8x1024xf32, #tpu.memory_space<vmem>> -> memref<1x8x1024xf32, #tpu.memory_space<vmem>>
      %dma_wait3A_448 = tpu.memref_squeeze %dma_wait3A_447 : memref<1x8x1024xf32, #tpu.memory_space<vmem>> -> memref<8x1024xf32, #tpu.memory_space<vmem>>
      %dma_wait3A_449 = arith.constant 0 : i32
      %dma_wait3A_450 = tpu.memref_slice %arg3[%add3A_443, %dma_wait3A_449] : memref<4096x1024xf32, #tpu.memory_space<hbm>> -> memref<8x1024xf32, #tpu.memory_space<hbm>>
      %dma_wait3A_451 = arith.constant 0 : i32
      %dma_wait3A_452 = arith.constant 0 : i32
      %dma_wait3A_453 = tpu.memref_slice %arg6[%dma_wait3A_444, %dma_wait3A_451, %dma_wait3A_452] : memref<2x8x1024xf32, #tpu.memory_space<vmem>> -> memref<1x8x1024xf32, #tpu.memory_space<vmem>>
      %dma_wait3A_454 = tpu.memref_squeeze %dma_wait3A_453 : memref<1x8x1024xf32, #tpu.memory_space<vmem>> -> memref<8x1024xf32, #tpu.memory_space<vmem>>
      %dma_wait3A_455 = arith.constant 0 : i32
      %dma_wait3A_456 = tpu.memref_slice %arg3[%add3A_443, %dma_wait3A_455] : memref<4096x1024xf32, #tpu.memory_space<hbm>> -> memref<8x1024xf32, #tpu.memory_space<hbm>>
      tpu.wait_dma2 semaphore(%arg13 : memref<!tpu.dma_semaphore, #tpu.memory_space<semaphore_mem>>) src(%dma_wait3A_456 : memref<8x1024xf32, #tpu.memory_space<hbm>>) dst(%dma_wait3A_454 : memref<8x1024xf32, #tpu.memory_space<vmem>>)
      %add3A_457 = arith.constant 1 : i32
      %add3A_458 = arith.addi %add3A_440, %add3A_457 : i32
      %lt3A_459 = arith.constant 16 : i32
      %lt3A_460 = arith.cmpi slt, %add3A_458, %lt3A_459 : i32
      %convert_element_type3A_461 = arith.extui %lt3A_460 : i1 to i32
      %cond3A_462 = arith.constant 0 : i32
      %cond3A_463 = arith.cmpi ne, %convert_element_type3A_461, %cond3A_462 : i32
      scf.if %cond3A_463 {
        %add3A_716 = arith.constant 1 : i32
        %add3A_717 = arith.addi %add3A_440, %add3A_716 : i32
        %mul3A_718 = arith.constant 8 : i32
        %mul3A_719 = arith.muli %add3A_717, %mul3A_718 : i32
        %add3A_720 = arith.addi %mul3A_2, %mul3A_719 : i32
        %dma_start3A_721 = arith.constant 0 : i32
        %dma_start3A_722 = arith.constant 0 : i32
        %dma_start3A_723 = arith.constant 0 : i32
        %dma_start3A_724 = tpu.memref_slice %arg6[%dma_start3A_721, %dma_start3A_722, %dma_start3A_723] : memref<2x8x1024xf32, #tpu.memory_space<vmem>> -> memref<1x8x1024xf32, #tpu.memory_space<vmem>>
        %dma_start3A_725 = tpu.memref_squeeze %dma_start3A_724 : memref<1x8x1024xf32, #tpu.memory_space<vmem>> -> memref<8x1024xf32, #tpu.memory_space<vmem>>
        %dma_start3A_726 = arith.constant 0 : i32
        %dma_start3A_727 = tpu.memref_slice %arg3[%add3A_720, %dma_start3A_726] : memref<4096x1024xf32, #tpu.memory_space<hbm>> -> memref<8x1024xf32, #tpu.memory_space<hbm>>
        %dma_start3A_728 = arith.constant 0 : i32
        %dma_start3A_729 = arith.constant 0 : i32
        %dma_start3A_730 = tpu.memref_slice %arg6[%dma_start3A_721, %dma_start3A_728, %dma_start3A_729] : memref<2x8x1024xf32, #tpu.memory_space<vmem>> -> memref<1x8x1024xf32, #tpu.memory_space<vmem>>
        %dma_start3A_731 = tpu.memref_squeeze %dma_start3A_730 : memref<1x8x1024xf32, #tpu.memory_space<vmem>> -> memref<8x1024xf32, #tpu.memory_space<vmem>>
        %dma_start3A_732 = arith.constant 0 : i32
        %dma_start3A_733 = tpu.memref_slice %arg3[%add3A_720, %dma_start3A_732] : memref<4096x1024xf32, #tpu.memory_space<hbm>> -> memref<8x1024xf32, #tpu.memory_space<hbm>>
        tpu.enqueue_dma source(%dma_start3A_733 : memref<8x1024xf32, #tpu.memory_space<hbm>>) target(%dma_start3A_731 : memref<8x1024xf32, #tpu.memory_space<vmem>>) target_semaphore(%arg12 : memref<!tpu.dma_semaphore, #tpu.memory_space<semaphore_mem>>)
      } else {
      }
      %mul3A_464 = arith.constant 4 : i32
      %mul3A_465 = arith.muli %add3A_440, %mul3A_464 : i32
      %add3A_466 = arith.constant 0 : i32
      %add3A_467 = arith.addi %mul3A_465, %add3A_466 : i32
      %and3A_468 = arith.constant 3 : i32
      %and3A_469 = arith.andi %add3A_467, %and3A_468 : i32
      %shift_right_arithmetic3A_470 = arith.constant 2 : i32
      %shift_right_arithmetic3A_471 = arith.shrsi %add3A_467, %shift_right_arithmetic3A_470 : i32
      %mul3A_472 = arith.constant 8 : i32
      %mul3A_473 = arith.muli %shift_right_arithmetic3A_471, %mul3A_472 : i32
      %add3A_474 = arith.addi %mul3A_2, %mul3A_473 : i32
      %dma_wait3A_475 = arith.constant 0 : i32
      %dma_wait3A_476 = arith.constant 0 : i32
      %dma_wait3A_477 = arith.constant 0 : i32
      %dma_wait3A_478 = tpu.memref_slice %arg5[%dma_wait3A_475, %dma_wait3A_476, %dma_wait3A_477] : memref<4x8x1024xf32, #tpu.memory_space<vmem>> -> memref<1x8x1024xf32, #tpu.memory_space<vmem>>
      %dma_wait3A_479 = tpu.memref_squeeze %dma_wait3A_478 : memref<1x8x1024xf32, #tpu.memory_space<vmem>> -> memref<8x1024xf32, #tpu.memory_space<vmem>>
      %dma_wait3A_480 = arith.constant 0 : i32
      %dma_wait3A_481 = tpu.memref_slice %arg2[%and3A_469, %add3A_474, %dma_wait3A_480] : memref<4x4096x1024xf32, #tpu.memory_space<hbm>> -> memref<1x8x1024xf32, #tpu.memory_space<hbm>>
      %dma_wait3A_482 = tpu.memref_squeeze %dma_wait3A_481 : memref<1x8x1024xf32, #tpu.memory_space<hbm>> -> memref<8x1024xf32, #tpu.memory_space<hbm>>
      %dma_wait3A_483 = arith.constant 0 : i32
      %dma_wait3A_484 = arith.constant 0 : i32
      %dma_wait3A_485 = tpu.memref_slice %arg5[%dma_wait3A_475, %dma_wait3A_483, %dma_wait3A_484] : memref<4x8x1024xf32, #tpu.memory_space<vmem>> -> memref<1x8x1024xf32, #tpu.memory_space<vmem>>
      %dma_wait3A_486 = tpu.memref_squeeze %dma_wait3A_485 : memref<1x8x1024xf32, #tpu.memory_space<vmem>> -> memref<8x1024xf32, #tpu.memory_space<vmem>>
      %dma_wait3A_487 = arith.constant 0 : i32
      %dma_wait3A_488 = tpu.memref_slice %arg2[%and3A_469, %add3A_474, %dma_wait3A_487] : memref<4x4096x1024xf32, #tpu.memory_space<hbm>> -> memref<1x8x1024xf32, #tpu.memory_space<hbm>>
      %dma_wait3A_489 = tpu.memref_squeeze %dma_wait3A_488 : memref<1x8x1024xf32, #tpu.memory_space<hbm>> -> memref<8x1024xf32, #tpu.memory_space<hbm>>
      tpu.wait_dma2 semaphore(%arg8 : memref<!tpu.dma_semaphore, #tpu.memory_space<semaphore_mem>>) src(%dma_wait3A_489 : memref<8x1024xf32, #tpu.memory_space<hbm>>) dst(%dma_wait3A_486 : memref<8x1024xf32, #tpu.memory_space<vmem>>)
      %ge3A_490 = arith.constant 4 : i32
      %ge3A_491 = arith.cmpi sge, %add3A_467, %ge3A_490 : i32
      %convert_element_type3A_492 = arith.extui %ge3A_491 : i1 to i32
      %cond3A_493 = arith.constant 0 : i32
      %cond3A_494 = arith.cmpi ne, %convert_element_type3A_492, %cond3A_493 : i32
      scf.if %cond3A_494 {
        %sub3A = arith.constant 4 : i32
        %sub3A_716 = arith.subi %add3A_467, %sub3A : i32
        %and3A_717 = arith.constant 3 : i32
        %and3A_718 = arith.andi %sub3A_716, %and3A_717 : i32
        %shift_right_arithmetic3A_719 = arith.constant 2 : i32
        %shift_right_arithmetic3A_720 = arith.shrsi %sub3A_716, %shift_right_arithmetic3A_719 : i32
        %mul3A_721 = arith.constant 8 : i32
        %mul3A_722 = arith.muli %shift_right_arithmetic3A_720, %mul3A_721 : i32
        %add3A_723 = arith.addi %mul3A_2, %mul3A_722 : i32
        %dma_wait3A_724 = arith.constant 0 : i32
        %dma_wait3A_725 = arith.constant 0 : i32
        %dma_wait3A_726 = arith.constant 0 : i32
        %dma_wait3A_727 = tpu.memref_slice %arg7[%dma_wait3A_724, %dma_wait3A_725, %dma_wait3A_726] : memref<4x8x1024xf32, #tpu.memory_space<vmem>> -> memref<1x8x1024xf32, #tpu.memory_space<vmem>>
        %dma_wait3A_728 = tpu.memref_squeeze %dma_wait3A_727 : memref<1x8x1024xf32, #tpu.memory_space<vmem>> -> memref<8x1024xf32, #tpu.memory_space<vmem>>
        %dma_wait3A_729 = arith.constant 0 : i32
        %dma_wait3A_730 = tpu.memref_slice %arg4[%and3A_718, %add3A_723, %dma_wait3A_729] : memref<4x4096x1024xf32, #tpu.memory_space<hbm>> -> memref<1x8x1024xf32, #tpu.memory_space<hbm>>
        %dma_wait3A_731 = tpu.memref_squeeze %dma_wait3A_730 : memref<1x8x1024xf32, #tpu.memory_space<hbm>> -> memref<8x1024xf32, #tpu.memory_space<hbm>>
        %dma_wait3A_732 = arith.constant 0 : i32
        %dma_wait3A_733 = tpu.memref_slice %arg4[%and3A_718, %add3A_723, %dma_wait3A_732] : memref<4x4096x1024xf32, #tpu.memory_space<hbm>> -> memref<1x8x1024xf32, #tpu.memory_space<hbm>>
        %dma_wait3A_734 = tpu.memref_squeeze %dma_wait3A_733 : memref<1x8x1024xf32, #tpu.memory_space<hbm>> -> memref<8x1024xf32, #tpu.memory_space<hbm>>
        %dma_wait3A_735 = arith.constant 0 : i32
        %dma_wait3A_736 = arith.constant 0 : i32
        %dma_wait3A_737 = tpu.memref_slice %arg7[%dma_wait3A_724, %dma_wait3A_735, %dma_wait3A_736] : memref<4x8x1024xf32, #tpu.memory_space<vmem>> -> memref<1x8x1024xf32, #tpu.memory_space<vmem>>
        %dma_wait3A_738 = tpu.memref_squeeze %dma_wait3A_737 : memref<1x8x1024xf32, #tpu.memory_space<vmem>> -> memref<8x1024xf32, #tpu.memory_space<vmem>>
        tpu.wait_dma2 semaphore(%arg14 : memref<!tpu.dma_semaphore, #tpu.memory_space<semaphore_mem>>) src(%dma_wait3A_738 : memref<8x1024xf32, #tpu.memory_space<vmem>>) dst(%dma_wait3A_734 : memref<8x1024xf32, #tpu.memory_space<hbm>>)
      } else {
      }
      %parallel_loop3A_495 = arith.constant 0 : i32
      %parallel_loop3A_496 = arith.constant 512 : i32
      %parallel_loop3A_497 = arith.constant 1 : i32
      scf.for %parallel_loop3A_716 = %parallel_loop3A_495 to %parallel_loop3A_496 step %parallel_loop3A_497  : i32 {
        %parallel_loop3A_717 = arith.constant 6 : i32
        %parallel_loop3A_718 = arith.shrsi %parallel_loop3A_716, %parallel_loop3A_717 : i32
        %parallel_loop3A_719 = arith.constant 63 : i32
        %parallel_loop3A_720 = arith.andi %parallel_loop3A_716, %parallel_loop3A_719 : i32
        %parallel_loop3A_721 = arith.constant 16 : i32
        %parallel_loop3A_722 = arith.muli %parallel_loop3A_720, %parallel_loop3A_721 : i32
        %parallel_loop3A_723 = arith.constant 0 : i32
        %parallel_loop3A_724 = arith.index_cast %parallel_loop3A_723 : i32 to index
        %parallel_loop3A_725 = arith.index_cast %parallel_loop3A_718 : i32 to index
        %parallel_loop3A_726 = arith.index_cast %parallel_loop3A_722 : i32 to index
        %parallel_loop3A_727 = tpu.vector_load %arg5[%parallel_loop3A_724, %parallel_loop3A_725, %parallel_loop3A_726] {strides = array<i32>} : memref<4x8x1024xf32, #tpu.memory_space<vmem>>, vector<1x1x16xf32>,
        %parallel_loop3A_728 = vector.shape_cast %parallel_loop3A_727 : vector<1x1x16xf32> to vector<16xf32>
        %parallel_loop3A_729 = arith.constant 1 : i32
        %parallel_loop3A_730 = arith.index_cast %parallel_loop3A_729 : i32 to index
        %parallel_loop3A_731 = arith.index_cast %parallel_loop3A_718 : i32 to index
        %parallel_loop3A_732 = arith.index_cast %parallel_loop3A_722 : i32 to index
        %parallel_loop3A_733 = tpu.vector_load %arg6[%parallel_loop3A_730, %parallel_loop3A_731, %parallel_loop3A_732] {strides = array<i32>} : memref<2x8x1024xf32, #tpu.memory_space<vmem>>, vector<1x1x16xf32>,
        %parallel_loop3A_734 = vector.shape_cast %parallel_loop3A_733 : vector<1x1x16xf32> to vector<16xf32>
        %parallel_loop3A_735 = arith.addf %parallel_loop3A_728, %parallel_loop3A_734 : vector<16xf32>
        %parallel_loop3A_736 = arith.constant 0 : i32
        %parallel_loop3A_737 = arith.index_cast %parallel_loop3A_736 : i32 to index
        %parallel_loop3A_738 = arith.index_cast %parallel_loop3A_718 : i32 to index
        %parallel_loop3A_739 = arith.index_cast %parallel_loop3A_722 : i32 to index
        %parallel_loop3A_740 = tpu.vector_load %arg7[%parallel_loop3A_737, %parallel_loop3A_738, %parallel_loop3A_739] {strides = array<i32>} : memref<4x8x1024xf32, #tpu.memory_space<vmem>>, vector<1x1x16xf32>,
        %parallel_loop3A_741 = vector.shape_cast %parallel_loop3A_740 : vector<1x1x16xf32> to vector<16xf32>
        %parallel_loop3A_742 = vector.shape_cast %parallel_loop3A_735 : vector<16xf32> to vector<1x1x16xf32>
        tpu.vector_store %arg7[%parallel_loop3A_737, %parallel_loop3A_738, %parallel_loop3A_739], %parallel_loop3A_742 {strides = array<i32>} : memref<4x8x1024xf32, #tpu.memory_space<vmem>>, vector<1x1x16xf32>,
      } {sc.loop_unroll_factor = 8 : i64, sc.parallel_access}
      %and3A_498 = arith.constant 3 : i32
      %and3A_499 = arith.andi %add3A_467, %and3A_498 : i32
      %shift_right_arithmetic3A_500 = arith.constant 2 : i32
      %shift_right_arithmetic3A_501 = arith.shrsi %add3A_467, %shift_right_arithmetic3A_500 : i32
      %mul3A_502 = arith.constant 8 : i32
      %mul3A_503 = arith.muli %shift_right_arithmetic3A_501, %mul3A_502 : i32
      %add3A_504 = arith.addi %mul3A_2, %mul3A_503 : i32
      %dma_start3A_505 = arith.constant 0 : i32
      %dma_start3A_506 = arith.constant 0 : i32
      %dma_start3A_507 = arith.constant 0 : i32
      %dma_start3A_508 = tpu.memref_slice %arg7[%dma_start3A_505, %dma_start3A_506, %dma_start3A_507] : memref<4x8x1024xf32, #tpu.memory_space<vmem>> -> memref<1x8x1024xf32, #tpu.memory_space<vmem>>
      %dma_start3A_509 = tpu.memref_squeeze %dma_start3A_508 : memref<1x8x1024xf32, #tpu.memory_space<vmem>> -> memref<8x1024xf32, #tpu.memory_space<vmem>>
      %dma_start3A_510 = arith.constant 0 : i32
      %dma_start3A_511 = tpu.memref_slice %arg4[%and3A_499, %add3A_504, %dma_start3A_510] : memref<4x4096x1024xf32, #tpu.memory_space<hbm>> -> memref<1x8x1024xf32, #tpu.memory_space<hbm>>
      %dma_start3A_512 = tpu.memref_squeeze %dma_start3A_511 : memref<1x8x1024xf32, #tpu.memory_space<hbm>> -> memref<8x1024xf32, #tpu.memory_space<hbm>>
      %dma_start3A_513 = arith.constant 0 : i32
      %dma_start3A_514 = tpu.memref_slice %arg4[%and3A_499, %add3A_504, %dma_start3A_513] : memref<4x4096x1024xf32, #tpu.memory_space<hbm>> -> memref<1x8x1024xf32, #tpu.memory_space<hbm>>
      %dma_start3A_515 = tpu.memref_squeeze %dma_start3A_514 : memref<1x8x1024xf32, #tpu.memory_space<hbm>> -> memref<8x1024xf32, #tpu.memory_space<hbm>>
      %dma_start3A_516 = arith.constant 0 : i32
      %dma_start3A_517 = arith.constant 0 : i32
      %dma_start3A_518 = tpu.memref_slice %arg7[%dma_start3A_505, %dma_start3A_516, %dma_start3A_517] : memref<4x8x1024xf32, #tpu.memory_space<vmem>> -> memref<1x8x1024xf32, #tpu.memory_space<vmem>>
      %dma_start3A_519 = tpu.memref_squeeze %dma_start3A_518 : memref<1x8x1024xf32, #tpu.memory_space<vmem>> -> memref<8x1024xf32, #tpu.memory_space<vmem>>
      tpu.enqueue_dma source(%dma_start3A_519 : memref<8x1024xf32, #tpu.memory_space<vmem>>) target(%dma_start3A_515 : memref<8x1024xf32, #tpu.memory_space<hbm>>) target_semaphore(%arg14 : memref<!tpu.dma_semaphore, #tpu.memory_space<semaphore_mem>>)
      %add3A_520 = arith.constant 4 : i32
      %add3A_521 = arith.addi %add3A_467, %add3A_520 : i32
      %lt3A_522 = arith.constant 64 : i32
      %lt3A_523 = arith.cmpi slt, %add3A_521, %lt3A_522 : i32
      %convert_element_type3A_524 = arith.extui %lt3A_523 : i1 to i32
      %cond3A_525 = arith.constant 0 : i32
      %cond3A_526 = arith.cmpi ne, %convert_element_type3A_524, %cond3A_525 : i32
      scf.if %cond3A_526 {
        %add3A_716 = arith.constant 4 : i32
        %add3A_717 = arith.addi %add3A_467, %add3A_716 : i32
        %and3A_718 = arith.constant 3 : i32
        %and3A_719 = arith.andi %add3A_717, %and3A_718 : i32
        %shift_right_arithmetic3A_720 = arith.constant 2 : i32
        %shift_right_arithmetic3A_721 = arith.shrsi %add3A_717, %shift_right_arithmetic3A_720 : i32
        %mul3A_722 = arith.constant 8 : i32
        %mul3A_723 = arith.muli %shift_right_arithmetic3A_721, %mul3A_722 : i32
        %add3A_724 = arith.addi %mul3A_2, %mul3A_723 : i32
        %dma_start3A_725 = arith.constant 0 : i32
        %dma_start3A_726 = arith.constant 0 : i32
        %dma_start3A_727 = arith.constant 0 : i32
        %dma_start3A_728 = tpu.memref_slice %arg5[%dma_start3A_725, %dma_start3A_726, %dma_start3A_727] : memref<4x8x1024xf32, #tpu.memory_space<vmem>> -> memref<1x8x1024xf32, #tpu.memory_space<vmem>>
        %dma_start3A_729 = tpu.memref_squeeze %dma_start3A_728 : memref<1x8x1024xf32, #tpu.memory_space<vmem>> -> memref<8x1024xf32, #tpu.memory_space<vmem>>
        %dma_start3A_730 = arith.constant 0 : i32
        %dma_start3A_731 = tpu.memref_slice %arg2[%and3A_719, %add3A_724, %dma_start3A_730] : memref<4x4096x1024xf32, #tpu.memory_space<hbm>> -> memref<1x8x1024xf32, #tpu.memory_space<hbm>>
        %dma_start3A_732 = tpu.memref_squeeze %dma_start3A_731 : memref<1x8x1024xf32, #tpu.memory_space<hbm>> -> memref<8x1024xf32, #tpu.memory_space<hbm>>
        %dma_start3A_733 = arith.constant 0 : i32
        %dma_start3A_734 = arith.constant 0 : i32
        %dma_start3A_735 = tpu.memref_slice %arg5[%dma_start3A_725, %dma_start3A_733, %dma_start3A_734] : memref<4x8x1024xf32, #tpu.memory_space<vmem>> -> memref<1x8x1024xf32, #tpu.memory_space<vmem>>
        %dma_start3A_736 = tpu.memref_squeeze %dma_start3A_735 : memref<1x8x1024xf32, #tpu.memory_space<vmem>> -> memref<8x1024xf32, #tpu.memory_space<vmem>>
        %dma_start3A_737 = arith.constant 0 : i32
        %dma_start3A_738 = tpu.memref_slice %arg2[%and3A_719, %add3A_724, %dma_start3A_737] : memref<4x4096x1024xf32, #tpu.memory_space<hbm>> -> memref<1x8x1024xf32, #tpu.memory_space<hbm>>
        %dma_start3A_739 = tpu.memref_squeeze %dma_start3A_738 : memref<1x8x1024xf32, #tpu.memory_space<hbm>> -> memref<8x1024xf32, #tpu.memory_space<hbm>>
        tpu.enqueue_dma source(%dma_start3A_739 : memref<8x1024xf32, #tpu.memory_space<hbm>>) target(%dma_start3A_736 : memref<8x1024xf32, #tpu.memory_space<vmem>>) target_semaphore(%arg8 : memref<!tpu.dma_semaphore, #tpu.memory_space<semaphore_mem>>)
      } else {
      }
      %mul3A_527 = arith.constant 4 : i32
      %mul3A_528 = arith.muli %add3A_440, %mul3A_527 : i32
      %add3A_529 = arith.constant 1 : i32
      %add3A_530 = arith.addi %mul3A_528, %add3A_529 : i32
      %and3A_531 = arith.constant 3 : i32
      %and3A_532 = arith.andi %add3A_530, %and3A_531 : i32
      %shift_right_arithmetic3A_533 = arith.constant 2 : i32
      %shift_right_arithmetic3A_534 = arith.shrsi %add3A_530, %shift_right_arithmetic3A_533 : i32
      %mul3A_535 = arith.constant 8 : i32
      %mul3A_536 = arith.muli %shift_right_arithmetic3A_534, %mul3A_535 : i32
      %add3A_537 = arith.addi %mul3A_2, %mul3A_536 : i32
      %dma_wait3A_538 = arith.constant 1 : i32
      %dma_wait3A_539 = arith.constant 0 : i32
      %dma_wait3A_540 = arith.constant 0 : i32
      %dma_wait3A_541 = tpu.memref_slice %arg5[%dma_wait3A_538, %dma_wait3A_539, %dma_wait3A_540] : memref<4x8x1024xf32, #tpu.memory_space<vmem>> -> memref<1x8x1024xf32, #tpu.memory_space<vmem>>
      %dma_wait3A_542 = tpu.memref_squeeze %dma_wait3A_541 : memref<1x8x1024xf32, #tpu.memory_space<vmem>> -> memref<8x1024xf32, #tpu.memory_space<vmem>>
      %dma_wait3A_543 = arith.constant 0 : i32
      %dma_wait3A_544 = tpu.memref_slice %arg2[%and3A_532, %add3A_537, %dma_wait3A_543] : memref<4x4096x1024xf32, #tpu.memory_space<hbm>> -> memref<1x8x1024xf32, #tpu.memory_space<hbm>>
      %dma_wait3A_545 = tpu.memref_squeeze %dma_wait3A_544 : memref<1x8x1024xf32, #tpu.memory_space<hbm>> -> memref<8x1024xf32, #tpu.memory_space<hbm>>
      %dma_wait3A_546 = arith.constant 0 : i32
      %dma_wait3A_547 = arith.constant 0 : i32
      %dma_wait3A_548 = tpu.memref_slice %arg5[%dma_wait3A_538, %dma_wait3A_546, %dma_wait3A_547] : memref<4x8x1024xf32, #tpu.memory_space<vmem>> -> memref<1x8x1024xf32, #tpu.memory_space<vmem>>
      %dma_wait3A_549 = tpu.memref_squeeze %dma_wait3A_548 : memref<1x8x1024xf32, #tpu.memory_space<vmem>> -> memref<8x1024xf32, #tpu.memory_space<vmem>>
      %dma_wait3A_550 = arith.constant 0 : i32
      %dma_wait3A_551 = tpu.memref_slice %arg2[%and3A_532, %add3A_537, %dma_wait3A_550] : memref<4x4096x1024xf32, #tpu.memory_space<hbm>> -> memref<1x8x1024xf32, #tpu.memory_space<hbm>>
      %dma_wait3A_552 = tpu.memref_squeeze %dma_wait3A_551 : memref<1x8x1024xf32, #tpu.memory_space<hbm>> -> memref<8x1024xf32, #tpu.memory_space<hbm>>
      tpu.wait_dma2 semaphore(%arg9 : memref<!tpu.dma_semaphore, #tpu.memory_space<semaphore_mem>>) src(%dma_wait3A_552 : memref<8x1024xf32, #tpu.memory_space<hbm>>) dst(%dma_wait3A_549 : memref<8x1024xf32, #tpu.memory_space<vmem>>)
      %ge3A_553 = arith.constant 4 : i32
      %ge3A_554 = arith.cmpi sge, %add3A_530, %ge3A_553 : i32
      %convert_element_type3A_555 = arith.extui %ge3A_554 : i1 to i32
      %cond3A_556 = arith.constant 0 : i32
      %cond3A_557 = arith.cmpi ne, %convert_element_type3A_555, %cond3A_556 : i32
      scf.if %cond3A_557 {
        %sub3A = arith.constant 4 : i32
        %sub3A_716 = arith.subi %add3A_530, %sub3A : i32
        %and3A_717 = arith.constant 3 : i32
        %and3A_718 = arith.andi %sub3A_716, %and3A_717 : i32
        %shift_right_arithmetic3A_719 = arith.constant 2 : i32
        %shift_right_arithmetic3A_720 = arith.shrsi %sub3A_716, %shift_right_arithmetic3A_719 : i32
        %mul3A_721 = arith.constant 8 : i32
        %mul3A_722 = arith.muli %shift_right_arithmetic3A_720, %mul3A_721 : i32
        %add3A_723 = arith.addi %mul3A_2, %mul3A_722 : i32
        %dma_wait3A_724 = arith.constant 1 : i32
        %dma_wait3A_725 = arith.constant 0 : i32
        %dma_wait3A_726 = arith.constant 0 : i32
        %dma_wait3A_727 = tpu.memref_slice %arg7[%dma_wait3A_724, %dma_wait3A_725, %dma_wait3A_726] : memref<4x8x1024xf32, #tpu.memory_space<vmem>> -> memref<1x8x1024xf32, #tpu.memory_space<vmem>>
        %dma_wait3A_728 = tpu.memref_squeeze %dma_wait3A_727 : memref<1x8x1024xf32, #tpu.memory_space<vmem>> -> memref<8x1024xf32, #tpu.memory_space<vmem>>
        %dma_wait3A_729 = arith.constant 0 : i32
        %dma_wait3A_730 = tpu.memref_slice %arg4[%and3A_718, %add3A_723, %dma_wait3A_729] : memref<4x4096x1024xf32, #tpu.memory_space<hbm>> -> memref<1x8x1024xf32, #tpu.memory_space<hbm>>
        %dma_wait3A_731 = tpu.memref_squeeze %dma_wait3A_730 : memref<1x8x1024xf32, #tpu.memory_space<hbm>> -> memref<8x1024xf32, #tpu.memory_space<hbm>>
        %dma_wait3A_732 = arith.constant 0 : i32
        %dma_wait3A_733 = tpu.memref_slice %arg4[%and3A_718, %add3A_723, %dma_wait3A_732] : memref<4x4096x1024xf32, #tpu.memory_space<hbm>> -> memref<1x8x1024xf32, #tpu.memory_space<hbm>>
        %dma_wait3A_734 = tpu.memref_squeeze %dma_wait3A_733 : memref<1x8x1024xf32, #tpu.memory_space<hbm>> -> memref<8x1024xf32, #tpu.memory_space<hbm>>
        %dma_wait3A_735 = arith.constant 0 : i32
        %dma_wait3A_736 = arith.constant 0 : i32
        %dma_wait3A_737 = tpu.memref_slice %arg7[%dma_wait3A_724, %dma_wait3A_735, %dma_wait3A_736] : memref<4x8x1024xf32, #tpu.memory_space<vmem>> -> memref<1x8x1024xf32, #tpu.memory_space<vmem>>
        %dma_wait3A_738 = tpu.memref_squeeze %dma_wait3A_737 : memref<1x8x1024xf32, #tpu.memory_space<vmem>> -> memref<8x1024xf32, #tpu.memory_space<vmem>>
        tpu.wait_dma2 semaphore(%arg15 : memref<!tpu.dma_semaphore, #tpu.memory_space<semaphore_mem>>) src(%dma_wait3A_738 : memref<8x1024xf32, #tpu.memory_space<vmem>>) dst(%dma_wait3A_734 : memref<8x1024xf32, #tpu.memory_space<hbm>>)
      } else {
      }
      %parallel_loop3A_558 = arith.constant 0 : i32
      %parallel_loop3A_559 = arith.constant 512 : i32
      %parallel_loop3A_560 = arith.constant 1 : i32
      scf.for %parallel_loop3A_716 = %parallel_loop3A_558 to %parallel_loop3A_559 step %parallel_loop3A_560  : i32 {
        %parallel_loop3A_717 = arith.constant 6 : i32
        %parallel_loop3A_718 = arith.shrsi %parallel_loop3A_716, %parallel_loop3A_717 : i32
        %parallel_loop3A_719 = arith.constant 63 : i32
        %parallel_loop3A_720 = arith.andi %parallel_loop3A_716, %parallel_loop3A_719 : i32
        %parallel_loop3A_721 = arith.constant 16 : i32
        %parallel_loop3A_722 = arith.muli %parallel_loop3A_720, %parallel_loop3A_721 : i32
        %parallel_loop3A_723 = arith.constant 1 : i32
        %parallel_loop3A_724 = arith.index_cast %parallel_loop3A_723 : i32 to index
        %parallel_loop3A_725 = arith.index_cast %parallel_loop3A_718 : i32 to index
        %parallel_loop3A_726 = arith.index_cast %parallel_loop3A_722 : i32 to index
        %parallel_loop3A_727 = tpu.vector_load %arg5[%parallel_loop3A_724, %parallel_loop3A_725, %parallel_loop3A_726] {strides = array<i32>} : memref<4x8x1024xf32, #tpu.memory_space<vmem>>, vector<1x1x16xf32>,
        %parallel_loop3A_728 = vector.shape_cast %parallel_loop3A_727 : vector<1x1x16xf32> to vector<16xf32>
        %parallel_loop3A_729 = arith.constant 1 : i32
        %parallel_loop3A_730 = arith.index_cast %parallel_loop3A_729 : i32 to index
        %parallel_loop3A_731 = arith.index_cast %parallel_loop3A_718 : i32 to index
        %parallel_loop3A_732 = arith.index_cast %parallel_loop3A_722 : i32 to index
        %parallel_loop3A_733 = tpu.vector_load %arg6[%parallel_loop3A_730, %parallel_loop3A_731, %parallel_loop3A_732] {strides = array<i32>} : memref<2x8x1024xf32, #tpu.memory_space<vmem>>, vector<1x1x16xf32>,
        %parallel_loop3A_734 = vector.shape_cast %parallel_loop3A_733 : vector<1x1x16xf32> to vector<16xf32>
        %parallel_loop3A_735 = arith.addf %parallel_loop3A_728, %parallel_loop3A_734 : vector<16xf32>
        %parallel_loop3A_736 = arith.constant 1 : i32
        %parallel_loop3A_737 = arith.index_cast %parallel_loop3A_736 : i32 to index
        %parallel_loop3A_738 = arith.index_cast %parallel_loop3A_718 : i32 to index
        %parallel_loop3A_739 = arith.index_cast %parallel_loop3A_722 : i32 to index
        %parallel_loop3A_740 = tpu.vector_load %arg7[%parallel_loop3A_737, %parallel_loop3A_738, %parallel_loop3A_739] {strides = array<i32>} : memref<4x8x1024xf32, #tpu.memory_space<vmem>>, vector<1x1x16xf32>,
        %parallel_loop3A_741 = vector.shape_cast %parallel_loop3A_740 : vector<1x1x16xf32> to vector<16xf32>
        %parallel_loop3A_742 = vector.shape_cast %parallel_loop3A_735 : vector<16xf32> to vector<1x1x16xf32>
        tpu.vector_store %arg7[%parallel_loop3A_737, %parallel_loop3A_738, %parallel_loop3A_739], %parallel_loop3A_742 {strides = array<i32>} : memref<4x8x1024xf32, #tpu.memory_space<vmem>>, vector<1x1x16xf32>,
      } {sc.loop_unroll_factor = 8 : i64, sc.parallel_access}
      %and3A_561 = arith.constant 3 : i32
      %and3A_562 = arith.andi %add3A_530, %and3A_561 : i32
      %shift_right_arithmetic3A_563 = arith.constant 2 : i32
      %shift_right_arithmetic3A_564 = arith.shrsi %add3A_530, %shift_right_arithmetic3A_563 : i32
      %mul3A_565 = arith.constant 8 : i32
      %mul3A_566 = arith.muli %shift_right_arithmetic3A_564, %mul3A_565 : i32
      %add3A_567 = arith.addi %mul3A_2, %mul3A_566 : i32
      %dma_start3A_568 = arith.constant 1 : i32
      %dma_start3A_569 = arith.constant 0 : i32
      %dma_start3A_570 = arith.constant 0 : i32
      %dma_start3A_571 = tpu.memref_slice %arg7[%dma_start3A_568, %dma_start3A_569, %dma_start3A_570] : memref<4x8x1024xf32, #tpu.memory_space<vmem>> -> memref<1x8x1024xf32, #tpu.memory_space<vmem>>
      %dma_start3A_572 = tpu.memref_squeeze %dma_start3A_571 : memref<1x8x1024xf32, #tpu.memory_space<vmem>> -> memref<8x1024xf32, #tpu.memory_space<vmem>>
      %dma_start3A_573 = arith.constant 0 : i32
      %dma_start3A_574 = tpu.memref_slice %arg4[%and3A_562, %add3A_567, %dma_start3A_573] : memref<4x4096x1024xf32, #tpu.memory_space<hbm>> -> memref<1x8x1024xf32, #tpu.memory_space<hbm>>
      %dma_start3A_575 = tpu.memref_squeeze %dma_start3A_574 : memref<1x8x1024xf32, #tpu.memory_space<hbm>> -> memref<8x1024xf32, #tpu.memory_space<hbm>>
      %dma_start3A_576 = arith.constant 0 : i32
      %dma_start3A_577 = tpu.memref_slice %arg4[%and3A_562, %add3A_567, %dma_start3A_576] : memref<4x4096x1024xf32, #tpu.memory_space<hbm>> -> memref<1x8x1024xf32, #tpu.memory_space<hbm>>
      %dma_start3A_578 = tpu.memref_squeeze %dma_start3A_577 : memref<1x8x1024xf32, #tpu.memory_space<hbm>> -> memref<8x1024xf32, #tpu.memory_space<hbm>>
      %dma_start3A_579 = arith.constant 0 : i32
      %dma_start3A_580 = arith.constant 0 : i32
      %dma_start3A_581 = tpu.memref_slice %arg7[%dma_start3A_568, %dma_start3A_579, %dma_start3A_580] : memref<4x8x1024xf32, #tpu.memory_space<vmem>> -> memref<1x8x1024xf32, #tpu.memory_space<vmem>>
      %dma_start3A_582 = tpu.memref_squeeze %dma_start3A_581 : memref<1x8x1024xf32, #tpu.memory_space<vmem>> -> memref<8x1024xf32, #tpu.memory_space<vmem>>
      tpu.enqueue_dma source(%dma_start3A_582 : memref<8x1024xf32, #tpu.memory_space<vmem>>) target(%dma_start3A_578 : memref<8x1024xf32, #tpu.memory_space<hbm>>) target_semaphore(%arg15 : memref<!tpu.dma_semaphore, #tpu.memory_space<semaphore_mem>>)
      %add3A_583 = arith.constant 4 : i32
      %add3A_584 = arith.addi %add3A_530, %add3A_583 : i32
      %lt3A_585 = arith.constant 64 : i32
      %lt3A_586 = arith.cmpi slt, %add3A_584, %lt3A_585 : i32
      %convert_element_type3A_587 = arith.extui %lt3A_586 : i1 to i32
      %cond3A_588 = arith.constant 0 : i32
      %cond3A_589 = arith.cmpi ne, %convert_element_type3A_587, %cond3A_588 : i32
      scf.if %cond3A_589 {
        %add3A_716 = arith.constant 4 : i32
        %add3A_717 = arith.addi %add3A_530, %add3A_716 : i32
        %and3A_718 = arith.constant 3 : i32
        %and3A_719 = arith.andi %add3A_717, %and3A_718 : i32
        %shift_right_arithmetic3A_720 = arith.constant 2 : i32
        %shift_right_arithmetic3A_721 = arith.shrsi %add3A_717, %shift_right_arithmetic3A_720 : i32
        %mul3A_722 = arith.constant 8 : i32
        %mul3A_723 = arith.muli %shift_right_arithmetic3A_721, %mul3A_722 : i32
        %add3A_724 = arith.addi %mul3A_2, %mul3A_723 : i32
        %dma_start3A_725 = arith.constant 1 : i32
        %dma_start3A_726 = arith.constant 0 : i32
        %dma_start3A_727 = arith.constant 0 : i32
        %dma_start3A_728 = tpu.memref_slice %arg5[%dma_start3A_725, %dma_start3A_726, %dma_start3A_727] : memref<4x8x1024xf32, #tpu.memory_space<vmem>> -> memref<1x8x1024xf32, #tpu.memory_space<vmem>>
        %dma_start3A_729 = tpu.memref_squeeze %dma_start3A_728 : memref<1x8x1024xf32, #tpu.memory_space<vmem>> -> memref<8x1024xf32, #tpu.memory_space<vmem>>
        %dma_start3A_730 = arith.constant 0 : i32
        %dma_start3A_731 = tpu.memref_slice %arg2[%and3A_719, %add3A_724, %dma_start3A_730] : memref<4x4096x1024xf32, #tpu.memory_space<hbm>> -> memref<1x8x1024xf32, #tpu.memory_space<hbm>>
        %dma_start3A_732 = tpu.memref_squeeze %dma_start3A_731 : memref<1x8x1024xf32, #tpu.memory_space<hbm>> -> memref<8x1024xf32, #tpu.memory_space<hbm>>
        %dma_start3A_733 = arith.constant 0 : i32
        %dma_start3A_734 = arith.constant 0 : i32
        %dma_start3A_735 = tpu.memref_slice %arg5[%dma_start3A_725, %dma_start3A_733, %dma_start3A_734] : memref<4x8x1024xf32, #tpu.memory_space<vmem>> -> memref<1x8x1024xf32, #tpu.memory_space<vmem>>
        %dma_start3A_736 = tpu.memref_squeeze %dma_start3A_735 : memref<1x8x1024xf32, #tpu.memory_space<vmem>> -> memref<8x1024xf32, #tpu.memory_space<vmem>>
        %dma_start3A_737 = arith.constant 0 : i32
        %dma_start3A_738 = tpu.memref_slice %arg2[%and3A_719, %add3A_724, %dma_start3A_737] : memref<4x4096x1024xf32, #tpu.memory_space<hbm>> -> memref<1x8x1024xf32, #tpu.memory_space<hbm>>
        %dma_start3A_739 = tpu.memref_squeeze %dma_start3A_738 : memref<1x8x1024xf32, #tpu.memory_space<hbm>> -> memref<8x1024xf32, #tpu.memory_space<hbm>>
        tpu.enqueue_dma source(%dma_start3A_739 : memref<8x1024xf32, #tpu.memory_space<hbm>>) target(%dma_start3A_736 : memref<8x1024xf32, #tpu.memory_space<vmem>>) target_semaphore(%arg9 : memref<!tpu.dma_semaphore, #tpu.memory_space<semaphore_mem>>)
      } else {
      }
      %mul3A_590 = arith.constant 4 : i32
      %mul3A_591 = arith.muli %add3A_440, %mul3A_590 : i32
      %add3A_592 = arith.constant 2 : i32
      %add3A_593 = arith.addi %mul3A_591, %add3A_592 : i32
      %and3A_594 = arith.constant 3 : i32
      %and3A_595 = arith.andi %add3A_593, %and3A_594 : i32
      %shift_right_arithmetic3A_596 = arith.constant 2 : i32
      %shift_right_arithmetic3A_597 = arith.shrsi %add3A_593, %shift_right_arithmetic3A_596 : i32
      %mul3A_598 = arith.constant 8 : i32
      %mul3A_599 = arith.muli %shift_right_arithmetic3A_597, %mul3A_598 : i32
      %add3A_600 = arith.addi %mul3A_2, %mul3A_599 : i32
      %dma_wait3A_601 = arith.constant 2 : i32
      %dma_wait3A_602 = arith.constant 0 : i32
      %dma_wait3A_603 = arith.constant 0 : i32
      %dma_wait3A_604 = tpu.memref_slice %arg5[%dma_wait3A_601, %dma_wait3A_602, %dma_wait3A_603] : memref<4x8x1024xf32, #tpu.memory_space<vmem>> -> memref<1x8x1024xf32, #tpu.memory_space<vmem>>
      %dma_wait3A_605 = tpu.memref_squeeze %dma_wait3A_604 : memref<1x8x1024xf32, #tpu.memory_space<vmem>> -> memref<8x1024xf32, #tpu.memory_space<vmem>>
      %dma_wait3A_606 = arith.constant 0 : i32
      %dma_wait3A_607 = tpu.memref_slice %arg2[%and3A_595, %add3A_600, %dma_wait3A_606] : memref<4x4096x1024xf32, #tpu.memory_space<hbm>> -> memref<1x8x1024xf32, #tpu.memory_space<hbm>>
      %dma_wait3A_608 = tpu.memref_squeeze %dma_wait3A_607 : memref<1x8x1024xf32, #tpu.memory_space<hbm>> -> memref<8x1024xf32, #tpu.memory_space<hbm>>
      %dma_wait3A_609 = arith.constant 0 : i32
      %dma_wait3A_610 = arith.constant 0 : i32
      %dma_wait3A_611 = tpu.memref_slice %arg5[%dma_wait3A_601, %dma_wait3A_609, %dma_wait3A_610] : memref<4x8x1024xf32, #tpu.memory_space<vmem>> -> memref<1x8x1024xf32, #tpu.memory_space<vmem>>
      %dma_wait3A_612 = tpu.memref_squeeze %dma_wait3A_611 : memref<1x8x1024xf32, #tpu.memory_space<vmem>> -> memref<8x1024xf32, #tpu.memory_space<vmem>>
      %dma_wait3A_613 = arith.constant 0 : i32
      %dma_wait3A_614 = tpu.memref_slice %arg2[%and3A_595, %add3A_600, %dma_wait3A_613] : memref<4x4096x1024xf32, #tpu.memory_space<hbm>> -> memref<1x8x1024xf32, #tpu.memory_space<hbm>>
      %dma_wait3A_615 = tpu.memref_squeeze %dma_wait3A_614 : memref<1x8x1024xf32, #tpu.memory_space<hbm>> -> memref<8x1024xf32, #tpu.memory_space<hbm>>
      tpu.wait_dma2 semaphore(%arg10 : memref<!tpu.dma_semaphore, #tpu.memory_space<semaphore_mem>>) src(%dma_wait3A_615 : memref<8x1024xf32, #tpu.memory_space<hbm>>) dst(%dma_wait3A_612 : memref<8x1024xf32, #tpu.memory_space<vmem>>)
      %ge3A_616 = arith.constant 4 : i32
      %ge3A_617 = arith.cmpi sge, %add3A_593, %ge3A_616 : i32
      %convert_element_type3A_618 = arith.extui %ge3A_617 : i1 to i32
      %cond3A_619 = arith.constant 0 : i32
      %cond3A_620 = arith.cmpi ne, %convert_element_type3A_618, %cond3A_619 : i32
      scf.if %cond3A_620 {
        %sub3A = arith.constant 4 : i32
        %sub3A_716 = arith.subi %add3A_593, %sub3A : i32
        %and3A_717 = arith.constant 3 : i32
        %and3A_718 = arith.andi %sub3A_716, %and3A_717 : i32
        %shift_right_arithmetic3A_719 = arith.constant 2 : i32
        %shift_right_arithmetic3A_720 = arith.shrsi %sub3A_716, %shift_right_arithmetic3A_719 : i32
        %mul3A_721 = arith.constant 8 : i32
        %mul3A_722 = arith.muli %shift_right_arithmetic3A_720, %mul3A_721 : i32
        %add3A_723 = arith.addi %mul3A_2, %mul3A_722 : i32
        %dma_wait3A_724 = arith.constant 2 : i32
        %dma_wait3A_725 = arith.constant 0 : i32
        %dma_wait3A_726 = arith.constant 0 : i32
        %dma_wait3A_727 = tpu.memref_slice %arg7[%dma_wait3A_724, %dma_wait3A_725, %dma_wait3A_726] : memref<4x8x1024xf32, #tpu.memory_space<vmem>> -> memref<1x8x1024xf32, #tpu.memory_space<vmem>>
        %dma_wait3A_728 = tpu.memref_squeeze %dma_wait3A_727 : memref<1x8x1024xf32, #tpu.memory_space<vmem>> -> memref<8x1024xf32, #tpu.memory_space<vmem>>
        %dma_wait3A_729 = arith.constant 0 : i32
        %dma_wait3A_730 = tpu.memref_slice %arg4[%and3A_718, %add3A_723, %dma_wait3A_729] : memref<4x4096x1024xf32, #tpu.memory_space<hbm>> -> memref<1x8x1024xf32, #tpu.memory_space<hbm>>
        %dma_wait3A_731 = tpu.memref_squeeze %dma_wait3A_730 : memref<1x8x1024xf32, #tpu.memory_space<hbm>> -> memref<8x1024xf32, #tpu.memory_space<hbm>>
        %dma_wait3A_732 = arith.constant 0 : i32
        %dma_wait3A_733 = tpu.memref_slice %arg4[%and3A_718, %add3A_723, %dma_wait3A_732] : memref<4x4096x1024xf32, #tpu.memory_space<hbm>> -> memref<1x8x1024xf32, #tpu.memory_space<hbm>>
        %dma_wait3A_734 = tpu.memref_squeeze %dma_wait3A_733 : memref<1x8x1024xf32, #tpu.memory_space<hbm>> -> memref<8x1024xf32, #tpu.memory_space<hbm>>
        %dma_wait3A_735 = arith.constant 0 : i32
        %dma_wait3A_736 = arith.constant 0 : i32
        %dma_wait3A_737 = tpu.memref_slice %arg7[%dma_wait3A_724, %dma_wait3A_735, %dma_wait3A_736] : memref<4x8x1024xf32, #tpu.memory_space<vmem>> -> memref<1x8x1024xf32, #tpu.memory_space<vmem>>
        %dma_wait3A_738 = tpu.memref_squeeze %dma_wait3A_737 : memref<1x8x1024xf32, #tpu.memory_space<vmem>> -> memref<8x1024xf32, #tpu.memory_space<vmem>>
        tpu.wait_dma2 semaphore(%arg16 : memref<!tpu.dma_semaphore, #tpu.memory_space<semaphore_mem>>) src(%dma_wait3A_738 : memref<8x1024xf32, #tpu.memory_space<vmem>>) dst(%dma_wait3A_734 : memref<8x1024xf32, #tpu.memory_space<hbm>>)
      } else {
      }
      %parallel_loop3A_621 = arith.constant 0 : i32
      %parallel_loop3A_622 = arith.constant 512 : i32
      %parallel_loop3A_623 = arith.constant 1 : i32
      scf.for %parallel_loop3A_716 = %parallel_loop3A_621 to %parallel_loop3A_622 step %parallel_loop3A_623  : i32 {
        %parallel_loop3A_717 = arith.constant 6 : i32
        %parallel_loop3A_718 = arith.shrsi %parallel_loop3A_716, %parallel_loop3A_717 : i32
        %parallel_loop3A_719 = arith.constant 63 : i32
        %parallel_loop3A_720 = arith.andi %parallel_loop3A_716, %parallel_loop3A_719 : i32
        %parallel_loop3A_721 = arith.constant 16 : i32
        %parallel_loop3A_722 = arith.muli %parallel_loop3A_720, %parallel_loop3A_721 : i32
        %parallel_loop3A_723 = arith.constant 2 : i32
        %parallel_loop3A_724 = arith.index_cast %parallel_loop3A_723 : i32 to index
        %parallel_loop3A_725 = arith.index_cast %parallel_loop3A_718 : i32 to index
        %parallel_loop3A_726 = arith.index_cast %parallel_loop3A_722 : i32 to index
        %parallel_loop3A_727 = tpu.vector_load %arg5[%parallel_loop3A_724, %parallel_loop3A_725, %parallel_loop3A_726] {strides = array<i32>} : memref<4x8x1024xf32, #tpu.memory_space<vmem>>, vector<1x1x16xf32>,
        %parallel_loop3A_728 = vector.shape_cast %parallel_loop3A_727 : vector<1x1x16xf32> to vector<16xf32>
        %parallel_loop3A_729 = arith.constant 1 : i32
        %parallel_loop3A_730 = arith.index_cast %parallel_loop3A_729 : i32 to index
        %parallel_loop3A_731 = arith.index_cast %parallel_loop3A_718 : i32 to index
        %parallel_loop3A_732 = arith.index_cast %parallel_loop3A_722 : i32 to index
        %parallel_loop3A_733 = tpu.vector_load %arg6[%parallel_loop3A_730, %parallel_loop3A_731, %parallel_loop3A_732] {strides = array<i32>} : memref<2x8x1024xf32, #tpu.memory_space<vmem>>, vector<1x1x16xf32>,
        %parallel_loop3A_734 = vector.shape_cast %parallel_loop3A_733 : vector<1x1x16xf32> to vector<16xf32>
        %parallel_loop3A_735 = arith.addf %parallel_loop3A_728, %parallel_loop3A_734 : vector<16xf32>
        %parallel_loop3A_736 = arith.constant 2 : i32
        %parallel_loop3A_737 = arith.index_cast %parallel_loop3A_736 : i32 to index
        %parallel_loop3A_738 = arith.index_cast %parallel_loop3A_718 : i32 to index
        %parallel_loop3A_739 = arith.index_cast %parallel_loop3A_722 : i32 to index
        %parallel_loop3A_740 = tpu.vector_load %arg7[%parallel_loop3A_737, %parallel_loop3A_738, %parallel_loop3A_739] {strides = array<i32>} : memref<4x8x1024xf32, #tpu.memory_space<vmem>>, vector<1x1x16xf32>,
        %parallel_loop3A_741 = vector.shape_cast %parallel_loop3A_740 : vector<1x1x16xf32> to vector<16xf32>
        %parallel_loop3A_742 = vector.shape_cast %parallel_loop3A_735 : vector<16xf32> to vector<1x1x16xf32>
        tpu.vector_store %arg7[%parallel_loop3A_737, %parallel_loop3A_738, %parallel_loop3A_739], %parallel_loop3A_742 {strides = array<i32>} : memref<4x8x1024xf32, #tpu.memory_space<vmem>>, vector<1x1x16xf32>,
      } {sc.loop_unroll_factor = 8 : i64, sc.parallel_access}
      %and3A_624 = arith.constant 3 : i32
      %and3A_625 = arith.andi %add3A_593, %and3A_624 : i32
      %shift_right_arithmetic3A_626 = arith.constant 2 : i32
      %shift_right_arithmetic3A_627 = arith.shrsi %add3A_593, %shift_right_arithmetic3A_626 : i32
      %mul3A_628 = arith.constant 8 : i32
      %mul3A_629 = arith.muli %shift_right_arithmetic3A_627, %mul3A_628 : i32
      %add3A_630 = arith.addi %mul3A_2, %mul3A_629 : i32
      %dma_start3A_631 = arith.constant 2 : i32
      %dma_start3A_632 = arith.constant 0 : i32
      %dma_start3A_633 = arith.constant 0 : i32
      %dma_start3A_634 = tpu.memref_slice %arg7[%dma_start3A_631, %dma_start3A_632, %dma_start3A_633] : memref<4x8x1024xf32, #tpu.memory_space<vmem>> -> memref<1x8x1024xf32, #tpu.memory_space<vmem>>
      %dma_start3A_635 = tpu.memref_squeeze %dma_start3A_634 : memref<1x8x1024xf32, #tpu.memory_space<vmem>> -> memref<8x1024xf32, #tpu.memory_space<vmem>>
      %dma_start3A_636 = arith.constant 0 : i32
      %dma_start3A_637 = tpu.memref_slice %arg4[%and3A_625, %add3A_630, %dma_start3A_636] : memref<4x4096x1024xf32, #tpu.memory_space<hbm>> -> memref<1x8x1024xf32, #tpu.memory_space<hbm>>
      %dma_start3A_638 = tpu.memref_squeeze %dma_start3A_637 : memref<1x8x1024xf32, #tpu.memory_space<hbm>> -> memref<8x1024xf32, #tpu.memory_space<hbm>>
      %dma_start3A_639 = arith.constant 0 : i32
      %dma_start3A_640 = tpu.memref_slice %arg4[%and3A_625, %add3A_630, %dma_start3A_639] : memref<4x4096x1024xf32, #tpu.memory_space<hbm>> -> memref<1x8x1024xf32, #tpu.memory_space<hbm>>
      %dma_start3A_641 = tpu.memref_squeeze %dma_start3A_640 : memref<1x8x1024xf32, #tpu.memory_space<hbm>> -> memref<8x1024xf32, #tpu.memory_space<hbm>>
      %dma_start3A_642 = arith.constant 0 : i32
      %dma_start3A_643 = arith.constant 0 : i32
      %dma_start3A_644 = tpu.memref_slice %arg7[%dma_start3A_631, %dma_start3A_642, %dma_start3A_643] : memref<4x8x1024xf32, #tpu.memory_space<vmem>> -> memref<1x8x1024xf32, #tpu.memory_space<vmem>>
      %dma_start3A_645 = tpu.memref_squeeze %dma_start3A_644 : memref<1x8x1024xf32, #tpu.memory_space<vmem>> -> memref<8x1024xf32, #tpu.memory_space<vmem>>
      tpu.enqueue_dma source(%dma_start3A_645 : memref<8x1024xf32, #tpu.memory_space<vmem>>) target(%dma_start3A_641 : memref<8x1024xf32, #tpu.memory_space<hbm>>) target_semaphore(%arg16 : memref<!tpu.dma_semaphore, #tpu.memory_space<semaphore_mem>>)
      %add3A_646 = arith.constant 4 : i32
      %add3A_647 = arith.addi %add3A_593, %add3A_646 : i32
      %lt3A_648 = arith.constant 64 : i32
      %lt3A_649 = arith.cmpi slt, %add3A_647, %lt3A_648 : i32
      %convert_element_type3A_650 = arith.extui %lt3A_649 : i1 to i32
      %cond3A_651 = arith.constant 0 : i32
      %cond3A_652 = arith.cmpi ne, %convert_element_type3A_650, %cond3A_651 : i32
      scf.if %cond3A_652 {
        %add3A_716 = arith.constant 4 : i32
        %add3A_717 = arith.addi %add3A_593, %add3A_716 : i32
        %and3A_718 = arith.constant 3 : i32
        %and3A_719 = arith.andi %add3A_717, %and3A_718 : i32
        %shift_right_arithmetic3A_720 = arith.constant 2 : i32
        %shift_right_arithmetic3A_721 = arith.shrsi %add3A_717, %shift_right_arithmetic3A_720 : i32
        %mul3A_722 = arith.constant 8 : i32
        %mul3A_723 = arith.muli %shift_right_arithmetic3A_721, %mul3A_722 : i32
        %add3A_724 = arith.addi %mul3A_2, %mul3A_723 : i32
        %dma_start3A_725 = arith.constant 2 : i32
        %dma_start3A_726 = arith.constant 0 : i32
        %dma_start3A_727 = arith.constant 0 : i32
        %dma_start3A_728 = tpu.memref_slice %arg5[%dma_start3A_725, %dma_start3A_726, %dma_start3A_727] : memref<4x8x1024xf32, #tpu.memory_space<vmem>> -> memref<1x8x1024xf32, #tpu.memory_space<vmem>>
        %dma_start3A_729 = tpu.memref_squeeze %dma_start3A_728 : memref<1x8x1024xf32, #tpu.memory_space<vmem>> -> memref<8x1024xf32, #tpu.memory_space<vmem>>
        %dma_start3A_730 = arith.constant 0 : i32
        %dma_start3A_731 = tpu.memref_slice %arg2[%and3A_719, %add3A_724, %dma_start3A_730] : memref<4x4096x1024xf32, #tpu.memory_space<hbm>> -> memref<1x8x1024xf32, #tpu.memory_space<hbm>>
        %dma_start3A_732 = tpu.memref_squeeze %dma_start3A_731 : memref<1x8x1024xf32, #tpu.memory_space<hbm>> -> memref<8x1024xf32, #tpu.memory_space<hbm>>
        %dma_start3A_733 = arith.constant 0 : i32
        %dma_start3A_734 = arith.constant 0 : i32
        %dma_start3A_735 = tpu.memref_slice %arg5[%dma_start3A_725, %dma_start3A_733, %dma_start3A_734] : memref<4x8x1024xf32, #tpu.memory_space<vmem>> -> memref<1x8x1024xf32, #tpu.memory_space<vmem>>
        %dma_start3A_736 = tpu.memref_squeeze %dma_start3A_735 : memref<1x8x1024xf32, #tpu.memory_space<vmem>> -> memref<8x1024xf32, #tpu.memory_space<vmem>>
        %dma_start3A_737 = arith.constant 0 : i32
        %dma_start3A_738 = tpu.memref_slice %arg2[%and3A_719, %add3A_724, %dma_start3A_737] : memref<4x4096x1024xf32, #tpu.memory_space<hbm>> -> memref<1x8x1024xf32, #tpu.memory_space<hbm>>
        %dma_start3A_739 = tpu.memref_squeeze %dma_start3A_738 : memref<1x8x1024xf32, #tpu.memory_space<hbm>> -> memref<8x1024xf32, #tpu.memory_space<hbm>>
        tpu.enqueue_dma source(%dma_start3A_739 : memref<8x1024xf32, #tpu.memory_space<hbm>>) target(%dma_start3A_736 : memref<8x1024xf32, #tpu.memory_space<vmem>>) target_semaphore(%arg10 : memref<!tpu.dma_semaphore, #tpu.memory_space<semaphore_mem>>)
      } else {
      }
      %mul3A_653 = arith.constant 4 : i32
      %mul3A_654 = arith.muli %add3A_440, %mul3A_653 : i32
      %add3A_655 = arith.constant 3 : i32
      %add3A_656 = arith.addi %mul3A_654, %add3A_655 : i32
      %and3A_657 = arith.constant 3 : i32
      %and3A_658 = arith.andi %add3A_656, %and3A_657 : i32
      %shift_right_arithmetic3A_659 = arith.constant 2 : i32
      %shift_right_arithmetic3A_660 = arith.shrsi %add3A_656, %shift_right_arithmetic3A_659 : i32
      %mul3A_661 = arith.constant 8 : i32
      %mul3A_662 = arith.muli %shift_right_arithmetic3A_660, %mul3A_661 : i32
      %add3A_663 = arith.addi %mul3A_2, %mul3A_662 : i32
      %dma_wait3A_664 = arith.constant 3 : i32
      %dma_wait3A_665 = arith.constant 0 : i32
      %dma_wait3A_666 = arith.constant 0 : i32
      %dma_wait3A_667 = tpu.memref_slice %arg5[%dma_wait3A_664, %dma_wait3A_665, %dma_wait3A_666] : memref<4x8x1024xf32, #tpu.memory_space<vmem>> -> memref<1x8x1024xf32, #tpu.memory_space<vmem>>
      %dma_wait3A_668 = tpu.memref_squeeze %dma_wait3A_667 : memref<1x8x1024xf32, #tpu.memory_space<vmem>> -> memref<8x1024xf32, #tpu.memory_space<vmem>>
      %dma_wait3A_669 = arith.constant 0 : i32
      %dma_wait3A_670 = tpu.memref_slice %arg2[%and3A_658, %add3A_663, %dma_wait3A_669] : memref<4x4096x1024xf32, #tpu.memory_space<hbm>> -> memref<1x8x1024xf32, #tpu.memory_space<hbm>>
      %dma_wait3A_671 = tpu.memref_squeeze %dma_wait3A_670 : memref<1x8x1024xf32, #tpu.memory_space<hbm>> -> memref<8x1024xf32, #tpu.memory_space<hbm>>
      %dma_wait3A_672 = arith.constant 0 : i32
      %dma_wait3A_673 = arith.constant 0 : i32
      %dma_wait3A_674 = tpu.memref_slice %arg5[%dma_wait3A_664, %dma_wait3A_672, %dma_wait3A_673] : memref<4x8x1024xf32, #tpu.memory_space<vmem>> -> memref<1x8x1024xf32, #tpu.memory_space<vmem>>
      %dma_wait3A_675 = tpu.memref_squeeze %dma_wait3A_674 : memref<1x8x1024xf32, #tpu.memory_space<vmem>> -> memref<8x1024xf32, #tpu.memory_space<vmem>>
      %dma_wait3A_676 = arith.constant 0 : i32
      %dma_wait3A_677 = tpu.memref_slice %arg2[%and3A_658, %add3A_663, %dma_wait3A_676] : memref<4x4096x1024xf32, #tpu.memory_space<hbm>> -> memref<1x8x1024xf32, #tpu.memory_space<hbm>>
      %dma_wait3A_678 = tpu.memref_squeeze %dma_wait3A_677 : memref<1x8x1024xf32, #tpu.memory_space<hbm>> -> memref<8x1024xf32, #tpu.memory_space<hbm>>
      tpu.wait_dma2 semaphore(%arg11 : memref<!tpu.dma_semaphore, #tpu.memory_space<semaphore_mem>>) src(%dma_wait3A_678 : memref<8x1024xf32, #tpu.memory_space<hbm>>) dst(%dma_wait3A_675 : memref<8x1024xf32, #tpu.memory_space<vmem>>)
      %ge3A_679 = arith.constant 4 : i32
      %ge3A_680 = arith.cmpi sge, %add3A_656, %ge3A_679 : i32
      %convert_element_type3A_681 = arith.extui %ge3A_680 : i1 to i32
      %cond3A_682 = arith.constant 0 : i32
      %cond3A_683 = arith.cmpi ne, %convert_element_type3A_681, %cond3A_682 : i32
      scf.if %cond3A_683 {
        %sub3A = arith.constant 4 : i32
        %sub3A_716 = arith.subi %add3A_656, %sub3A : i32
        %and3A_717 = arith.constant 3 : i32
        %and3A_718 = arith.andi %sub3A_716, %and3A_717 : i32
        %shift_right_arithmetic3A_719 = arith.constant 2 : i32
        %shift_right_arithmetic3A_720 = arith.shrsi %sub3A_716, %shift_right_arithmetic3A_719 : i32
        %mul3A_721 = arith.constant 8 : i32
        %mul3A_722 = arith.muli %shift_right_arithmetic3A_720, %mul3A_721 : i32
        %add3A_723 = arith.addi %mul3A_2, %mul3A_722 : i32
        %dma_wait3A_724 = arith.constant 3 : i32
        %dma_wait3A_725 = arith.constant 0 : i32
        %dma_wait3A_726 = arith.constant 0 : i32
        %dma_wait3A_727 = tpu.memref_slice %arg7[%dma_wait3A_724, %dma_wait3A_725, %dma_wait3A_726] : memref<4x8x1024xf32, #tpu.memory_space<vmem>> -> memref<1x8x1024xf32, #tpu.memory_space<vmem>>
        %dma_wait3A_728 = tpu.memref_squeeze %dma_wait3A_727 : memref<1x8x1024xf32, #tpu.memory_space<vmem>> -> memref<8x1024xf32, #tpu.memory_space<vmem>>
        %dma_wait3A_729 = arith.constant 0 : i32
        %dma_wait3A_730 = tpu.memref_slice %arg4[%and3A_718, %add3A_723, %dma_wait3A_729] : memref<4x4096x1024xf32, #tpu.memory_space<hbm>> -> memref<1x8x1024xf32, #tpu.memory_space<hbm>>
        %dma_wait3A_731 = tpu.memref_squeeze %dma_wait3A_730 : memref<1x8x1024xf32, #tpu.memory_space<hbm>> -> memref<8x1024xf32, #tpu.memory_space<hbm>>
        %dma_wait3A_732 = arith.constant 0 : i32
        %dma_wait3A_733 = tpu.memref_slice %arg4[%and3A_718, %add3A_723, %dma_wait3A_732] : memref<4x4096x1024xf32, #tpu.memory_space<hbm>> -> memref<1x8x1024xf32, #tpu.memory_space<hbm>>
        %dma_wait3A_734 = tpu.memref_squeeze %dma_wait3A_733 : memref<1x8x1024xf32, #tpu.memory_space<hbm>> -> memref<8x1024xf32, #tpu.memory_space<hbm>>
        %dma_wait3A_735 = arith.constant 0 : i32
        %dma_wait3A_736 = arith.constant 0 : i32
        %dma_wait3A_737 = tpu.memref_slice %arg7[%dma_wait3A_724, %dma_wait3A_735, %dma_wait3A_736] : memref<4x8x1024xf32, #tpu.memory_space<vmem>> -> memref<1x8x1024xf32, #tpu.memory_space<vmem>>
        %dma_wait3A_738 = tpu.memref_squeeze %dma_wait3A_737 : memref<1x8x1024xf32, #tpu.memory_space<vmem>> -> memref<8x1024xf32, #tpu.memory_space<vmem>>
        tpu.wait_dma2 semaphore(%arg17 : memref<!tpu.dma_semaphore, #tpu.memory_space<semaphore_mem>>) src(%dma_wait3A_738 : memref<8x1024xf32, #tpu.memory_space<vmem>>) dst(%dma_wait3A_734 : memref<8x1024xf32, #tpu.memory_space<hbm>>)
      } else {
      }
      %parallel_loop3A_684 = arith.constant 0 : i32
      %parallel_loop3A_685 = arith.constant 512 : i32
      %parallel_loop3A_686 = arith.constant 1 : i32
      scf.for %parallel_loop3A_716 = %parallel_loop3A_684 to %parallel_loop3A_685 step %parallel_loop3A_686  : i32 {
        %parallel_loop3A_717 = arith.constant 6 : i32
        %parallel_loop3A_718 = arith.shrsi %parallel_loop3A_716, %parallel_loop3A_717 : i32
        %parallel_loop3A_719 = arith.constant 63 : i32
        %parallel_loop3A_720 = arith.andi %parallel_loop3A_716, %parallel_loop3A_719 : i32
        %parallel_loop3A_721 = arith.constant 16 : i32
        %parallel_loop3A_722 = arith.muli %parallel_loop3A_720, %parallel_loop3A_721 : i32
        %parallel_loop3A_723 = arith.constant 3 : i32
        %parallel_loop3A_724 = arith.index_cast %parallel_loop3A_723 : i32 to index
        %parallel_loop3A_725 = arith.index_cast %parallel_loop3A_718 : i32 to index
        %parallel_loop3A_726 = arith.index_cast %parallel_loop3A_722 : i32 to index
        %parallel_loop3A_727 = tpu.vector_load %arg5[%parallel_loop3A_724, %parallel_loop3A_725, %parallel_loop3A_726] {strides = array<i32>} : memref<4x8x1024xf32, #tpu.memory_space<vmem>>, vector<1x1x16xf32>,
        %parallel_loop3A_728 = vector.shape_cast %parallel_loop3A_727 : vector<1x1x16xf32> to vector<16xf32>
        %parallel_loop3A_729 = arith.constant 1 : i32
        %parallel_loop3A_730 = arith.index_cast %parallel_loop3A_729 : i32 to index
        %parallel_loop3A_731 = arith.index_cast %parallel_loop3A_718 : i32 to index
        %parallel_loop3A_732 = arith.index_cast %parallel_loop3A_722 : i32 to index
        %parallel_loop3A_733 = tpu.vector_load %arg6[%parallel_loop3A_730, %parallel_loop3A_731, %parallel_loop3A_732] {strides = array<i32>} : memref<2x8x1024xf32, #tpu.memory_space<vmem>>, vector<1x1x16xf32>,
        %parallel_loop3A_734 = vector.shape_cast %parallel_loop3A_733 : vector<1x1x16xf32> to vector<16xf32>
        %parallel_loop3A_735 = arith.addf %parallel_loop3A_728, %parallel_loop3A_734 : vector<16xf32>
        %parallel_loop3A_736 = arith.constant 3 : i32
        %parallel_loop3A_737 = arith.index_cast %parallel_loop3A_736 : i32 to index
        %parallel_loop3A_738 = arith.index_cast %parallel_loop3A_718 : i32 to index
        %parallel_loop3A_739 = arith.index_cast %parallel_loop3A_722 : i32 to index
        %parallel_loop3A_740 = tpu.vector_load %arg7[%parallel_loop3A_737, %parallel_loop3A_738, %parallel_loop3A_739] {strides = array<i32>} : memref<4x8x1024xf32, #tpu.memory_space<vmem>>, vector<1x1x16xf32>,
        %parallel_loop3A_741 = vector.shape_cast %parallel_loop3A_740 : vector<1x1x16xf32> to vector<16xf32>
        %parallel_loop3A_742 = vector.shape_cast %parallel_loop3A_735 : vector<16xf32> to vector<1x1x16xf32>
        tpu.vector_store %arg7[%parallel_loop3A_737, %parallel_loop3A_738, %parallel_loop3A_739], %parallel_loop3A_742 {strides = array<i32>} : memref<4x8x1024xf32, #tpu.memory_space<vmem>>, vector<1x1x16xf32>,
      } {sc.loop_unroll_factor = 8 : i64, sc.parallel_access}
      %and3A_687 = arith.constant 3 : i32
      %and3A_688 = arith.andi %add3A_656, %and3A_687 : i32
      %shift_right_arithmetic3A_689 = arith.constant 2 : i32
      %shift_right_arithmetic3A_690 = arith.shrsi %add3A_656, %shift_right_arithmetic3A_689 : i32
      %mul3A_691 = arith.constant 8 : i32
      %mul3A_692 = arith.muli %shift_right_arithmetic3A_690, %mul3A_691 : i32
      %add3A_693 = arith.addi %mul3A_2, %mul3A_692 : i32
      %dma_start3A_694 = arith.constant 3 : i32
      %dma_start3A_695 = arith.constant 0 : i32
      %dma_start3A_696 = arith.constant 0 : i32
      %dma_start3A_697 = tpu.memref_slice %arg7[%dma_start3A_694, %dma_start3A_695, %dma_start3A_696] : memref<4x8x1024xf32, #tpu.memory_space<vmem>> -> memref<1x8x1024xf32, #tpu.memory_space<vmem>>
      %dma_start3A_698 = tpu.memref_squeeze %dma_start3A_697 : memref<1x8x1024xf32, #tpu.memory_space<vmem>> -> memref<8x1024xf32, #tpu.memory_space<vmem>>
      %dma_start3A_699 = arith.constant 0 : i32
      %dma_start3A_700 = tpu.memref_slice %arg4[%and3A_688, %add3A_693, %dma_start3A_699] : memref<4x4096x1024xf32, #tpu.memory_space<hbm>> -> memref<1x8x1024xf32, #tpu.memory_space<hbm>>
      %dma_start3A_701 = tpu.memref_squeeze %dma_start3A_700 : memref<1x8x1024xf32, #tpu.memory_space<hbm>> -> memref<8x1024xf32, #tpu.memory_space<hbm>>
      %dma_start3A_702 = arith.constant 0 : i32
      %dma_start3A_703 = tpu.memref_slice %arg4[%and3A_688, %add3A_693, %dma_start3A_702] : memref<4x4096x1024xf32, #tpu.memory_space<hbm>> -> memref<1x8x1024xf32, #tpu.memory_space<hbm>>
      %dma_start3A_704 = tpu.memref_squeeze %dma_start3A_703 : memref<1x8x1024xf32, #tpu.memory_space<hbm>> -> memref<8x1024xf32, #tpu.memory_space<hbm>>
      %dma_start3A_705 = arith.constant 0 : i32
      %dma_start3A_706 = arith.constant 0 : i32
      %dma_start3A_707 = tpu.memref_slice %arg7[%dma_start3A_694, %dma_start3A_705, %dma_start3A_706] : memref<4x8x1024xf32, #tpu.memory_space<vmem>> -> memref<1x8x1024xf32, #tpu.memory_space<vmem>>
      %dma_start3A_708 = tpu.memref_squeeze %dma_start3A_707 : memref<1x8x1024xf32, #tpu.memory_space<vmem>> -> memref<8x1024xf32, #tpu.memory_space<vmem>>
      tpu.enqueue_dma source(%dma_start3A_708 : memref<8x1024xf32, #tpu.memory_space<vmem>>) target(%dma_start3A_704 : memref<8x1024xf32, #tpu.memory_space<hbm>>) target_semaphore(%arg17 : memref<!tpu.dma_semaphore, #tpu.memory_space<semaphore_mem>>)
      %add3A_709 = arith.constant 4 : i32
      %add3A_710 = arith.addi %add3A_656, %add3A_709 : i32
      %lt3A_711 = arith.constant 64 : i32
      %lt3A_712 = arith.cmpi slt, %add3A_710, %lt3A_711 : i32
      %convert_element_type3A_713 = arith.extui %lt3A_712 : i1 to i32
      %cond3A_714 = arith.constant 0 : i32
      %cond3A_715 = arith.cmpi ne, %convert_element_type3A_713, %cond3A_714 : i32
      scf.if %cond3A_715 {
        %add3A_716 = arith.constant 4 : i32
        %add3A_717 = arith.addi %add3A_656, %add3A_716 : i32
        %and3A_718 = arith.constant 3 : i32
        %and3A_719 = arith.andi %add3A_717, %and3A_718 : i32
        %shift_right_arithmetic3A_720 = arith.constant 2 : i32
        %shift_right_arithmetic3A_721 = arith.shrsi %add3A_717, %shift_right_arithmetic3A_720 : i32
        %mul3A_722 = arith.constant 8 : i32
        %mul3A_723 = arith.muli %shift_right_arithmetic3A_721, %mul3A_722 : i32
        %add3A_724 = arith.addi %mul3A_2, %mul3A_723 : i32
        %dma_start3A_725 = arith.constant 3 : i32
        %dma_start3A_726 = arith.constant 0 : i32
        %dma_start3A_727 = arith.constant 0 : i32
        %dma_start3A_728 = tpu.memref_slice %arg5[%dma_start3A_725, %dma_start3A_726, %dma_start3A_727] : memref<4x8x1024xf32, #tpu.memory_space<vmem>> -> memref<1x8x1024xf32, #tpu.memory_space<vmem>>
        %dma_start3A_729 = tpu.memref_squeeze %dma_start3A_728 : memref<1x8x1024xf32, #tpu.memory_space<vmem>> -> memref<8x1024xf32, #tpu.memory_space<vmem>>
        %dma_start3A_730 = arith.constant 0 : i32
        %dma_start3A_731 = tpu.memref_slice %arg2[%and3A_719, %add3A_724, %dma_start3A_730] : memref<4x4096x1024xf32, #tpu.memory_space<hbm>> -> memref<1x8x1024xf32, #tpu.memory_space<hbm>>
        %dma_start3A_732 = tpu.memref_squeeze %dma_start3A_731 : memref<1x8x1024xf32, #tpu.memory_space<hbm>> -> memref<8x1024xf32, #tpu.memory_space<hbm>>
        %dma_start3A_733 = arith.constant 0 : i32
        %dma_start3A_734 = arith.constant 0 : i32
        %dma_start3A_735 = tpu.memref_slice %arg5[%dma_start3A_725, %dma_start3A_733, %dma_start3A_734] : memref<4x8x1024xf32, #tpu.memory_space<vmem>> -> memref<1x8x1024xf32, #tpu.memory_space<vmem>>
        %dma_start3A_736 = tpu.memref_squeeze %dma_start3A_735 : memref<1x8x1024xf32, #tpu.memory_space<vmem>> -> memref<8x1024xf32, #tpu.memory_space<vmem>>
        %dma_start3A_737 = arith.constant 0 : i32
        %dma_start3A_738 = tpu.memref_slice %arg2[%and3A_719, %add3A_724, %dma_start3A_737] : memref<4x4096x1024xf32, #tpu.memory_space<hbm>> -> memref<1x8x1024xf32, #tpu.memory_space<hbm>>
        %dma_start3A_739 = tpu.memref_squeeze %dma_start3A_738 : memref<1x8x1024xf32, #tpu.memory_space<hbm>> -> memref<8x1024xf32, #tpu.memory_space<hbm>>
        tpu.enqueue_dma source(%dma_start3A_739 : memref<8x1024xf32, #tpu.memory_space<hbm>>) target(%dma_start3A_736 : memref<8x1024xf32, #tpu.memory_space<vmem>>) target_semaphore(%arg11 : memref<!tpu.dma_semaphore, #tpu.memory_space<semaphore_mem>>)
      } else {
      }
    }
    %scan3A_92 = arith.constant 8 : i32
    %add3A_93 = arith.constant 120 : i32
    %add3A_94 = arith.addi %mul3A_2, %add3A_93 : i32
    %dma_wait3A = arith.constant 0 : i32
    %dma_wait3A_95 = arith.constant 0 : i32
    %dma_wait3A_96 = arith.constant 0 : i32
    %dma_wait3A_97 = arith.constant 0 : i32
    %dma_wait3A_98 = tpu.memref_slice %arg7[%dma_wait3A, %dma_wait3A_96, %dma_wait3A_97] : memref<4x8x1024xf32, #tpu.memory_space<vmem>> -> memref<1x8x1024xf32, #tpu.memory_space<vmem>>
    %dma_wait3A_99 = tpu.memref_squeeze %dma_wait3A_98 : memref<1x8x1024xf32, #tpu.memory_space<vmem>> -> memref<8x1024xf32, #tpu.memory_space<vmem>>
    %dma_wait3A_100 = arith.constant 0 : i32
    %dma_wait3A_101 = tpu.memref_slice %arg4[%dma_wait3A_95, %add3A_94, %dma_wait3A_100] : memref<4x4096x1024xf32, #tpu.memory_space<hbm>> -> memref<1x8x1024xf32, #tpu.memory_space<hbm>>
    %dma_wait3A_102 = tpu.memref_squeeze %dma_wait3A_101 : memref<1x8x1024xf32, #tpu.memory_space<hbm>> -> memref<8x1024xf32, #tpu.memory_space<hbm>>
    %dma_wait3A_103 = arith.constant 0 : i32
    %dma_wait3A_104 = tpu.memref_slice %arg4[%dma_wait3A_95, %add3A_94, %dma_wait3A_103] : memref<4x4096x1024xf32, #tpu.memory_space<hbm>> -> memref<1x8x1024xf32, #tpu.memory_space<hbm>>
    %dma_wait3A_105 = tpu.memref_squeeze %dma_wait3A_104 : memref<1x8x1024xf32, #tpu.memory_space<hbm>> -> memref<8x1024xf32, #tpu.memory_space<hbm>>
    %dma_wait3A_106 = arith.constant 0 : i32
    %dma_wait3A_107 = arith.constant 0 : i32
    %dma_wait3A_108 = tpu.memref_slice %arg7[%dma_wait3A, %dma_wait3A_106, %dma_wait3A_107] : memref<4x8x1024xf32, #tpu.memory_space<vmem>> -> memref<1x8x1024xf32, #tpu.memory_space<vmem>>
    %dma_wait3A_109 = tpu.memref_squeeze %dma_wait3A_108 : memref<1x8x1024xf32, #tpu.memory_space<vmem>> -> memref<8x1024xf32, #tpu.memory_space<vmem>>
    tpu.wait_dma2 semaphore(%arg14 : memref<!tpu.dma_semaphore, #tpu.memory_space<semaphore_mem>>) src(%dma_wait3A_109 : memref<8x1024xf32, #tpu.memory_space<vmem>>) dst(%dma_wait3A_105 : memref<8x1024xf32, #tpu.memory_space<hbm>>)
    %add3A_110 = arith.constant 120 : i32
    %add3A_111 = arith.addi %mul3A_2, %add3A_110 : i32
    %dma_wait3A_112 = arith.constant 1 : i32
    %dma_wait3A_113 = arith.constant 1 : i32
    %dma_wait3A_114 = arith.constant 0 : i32
    %dma_wait3A_115 = arith.constant 0 : i32
    %dma_wait3A_116 = tpu.memref_slice %arg7[%dma_wait3A_112, %dma_wait3A_114, %dma_wait3A_115] : memref<4x8x1024xf32, #tpu.memory_space<vmem>> -> memref<1x8x1024xf32, #tpu.memory_space<vmem>>
    %dma_wait3A_117 = tpu.memref_squeeze %dma_wait3A_116 : memref<1x8x1024xf32, #tpu.memory_space<vmem>> -> memref<8x1024xf32, #tpu.memory_space<vmem>>
    %dma_wait3A_118 = arith.constant 0 : i32
    %dma_wait3A_119 = tpu.memref_slice %arg4[%dma_wait3A_113, %add3A_111, %dma_wait3A_118] : memref<4x4096x1024xf32, #tpu.memory_space<hbm>> -> memref<1x8x1024xf32, #tpu.memory_space<hbm>>
    %dma_wait3A_120 = tpu.memref_squeeze %dma_wait3A_119 : memref<1x8x1024xf32, #tpu.memory_space<hbm>> -> memref<8x1024xf32, #tpu.memory_space<hbm>>
    %dma_wait3A_121 = arith.constant 0 : i32
    %dma_wait3A_122 = tpu.memref_slice %arg4[%dma_wait3A_113, %add3A_111, %dma_wait3A_121] : memref<4x4096x1024xf32, #tpu.memory_space<hbm>> -> memref<1x8x1024xf32, #tpu.memory_space<hbm>>
    %dma_wait3A_123 = tpu.memref_squeeze %dma_wait3A_122 : memref<1x8x1024xf32, #tpu.memory_space<hbm>> -> memref<8x1024xf32, #tpu.memory_space<hbm>>
    %dma_wait3A_124 = arith.constant 0 : i32
    %dma_wait3A_125 = arith.constant 0 : i32
    %dma_wait3A_126 = tpu.memref_slice %arg7[%dma_wait3A_112, %dma_wait3A_124, %dma_wait3A_125] : memref<4x8x1024xf32, #tpu.memory_space<vmem>> -> memref<1x8x1024xf32, #tpu.memory_space<vmem>>
    %dma_wait3A_127 = tpu.memref_squeeze %dma_wait3A_126 : memref<1x8x1024xf32, #tpu.memory_space<vmem>> -> memref<8x1024xf32, #tpu.memory_space<vmem>>
    tpu.wait_dma2 semaphore(%arg15 : memref<!tpu.dma_semaphore, #tpu.memory_space<semaphore_mem>>) src(%dma_wait3A_127 : memref<8x1024xf32, #tpu.memory_space<vmem>>) dst(%dma_wait3A_123 : memref<8x1024xf32, #tpu.memory_space<hbm>>)
    %add3A_128 = arith.constant 120 : i32
    %add3A_129 = arith.addi %mul3A_2, %add3A_128 : i32
    %dma_wait3A_130 = arith.constant 2 : i32
    %dma_wait3A_131 = arith.constant 2 : i32
    %dma_wait3A_132 = arith.constant 0 : i32
    %dma_wait3A_133 = arith.constant 0 : i32
    %dma_wait3A_134 = tpu.memref_slice %arg7[%dma_wait3A_130, %dma_wait3A_132, %dma_wait3A_133] : memref<4x8x1024xf32, #tpu.memory_space<vmem>> -> memref<1x8x1024xf32, #tpu.memory_space<vmem>>
    %dma_wait3A_135 = tpu.memref_squeeze %dma_wait3A_134 : memref<1x8x1024xf32, #tpu.memory_space<vmem>> -> memref<8x1024xf32, #tpu.memory_space<vmem>>
    %dma_wait3A_136 = arith.constant 0 : i32
    %dma_wait3A_137 = tpu.memref_slice %arg4[%dma_wait3A_131, %add3A_129, %dma_wait3A_136] : memref<4x4096x1024xf32, #tpu.memory_space<hbm>> -> memref<1x8x1024xf32, #tpu.memory_space<hbm>>
    %dma_wait3A_138 = tpu.memref_squeeze %dma_wait3A_137 : memref<1x8x1024xf32, #tpu.memory_space<hbm>> -> memref<8x1024xf32, #tpu.memory_space<hbm>>
    %dma_wait3A_139 = arith.constant 0 : i32
    %dma_wait3A_140 = tpu.memref_slice %arg4[%dma_wait3A_131, %add3A_129, %dma_wait3A_139] : memref<4x4096x1024xf32, #tpu.memory_space<hbm>> -> memref<1x8x1024xf32, #tpu.memory_space<hbm>>
    %dma_wait3A_141 = tpu.memref_squeeze %dma_wait3A_140 : memref<1x8x1024xf32, #tpu.memory_space<hbm>> -> memref<8x1024xf32, #tpu.memory_space<hbm>>
    %dma_wait3A_142 = arith.constant 0 : i32
    %dma_wait3A_143 = arith.constant 0 : i32
    %dma_wait3A_144 = tpu.memref_slice %arg7[%dma_wait3A_130, %dma_wait3A_142, %dma_wait3A_143] : memref<4x8x1024xf32, #tpu.memory_space<vmem>> -> memref<1x8x1024xf32, #tpu.memory_space<vmem>>
    %dma_wait3A_145 = tpu.memref_squeeze %dma_wait3A_144 : memref<1x8x1024xf32, #tpu.memory_space<vmem>> -> memref<8x1024xf32, #tpu.memory_space<vmem>>
    tpu.wait_dma2 semaphore(%arg16 : memref<!tpu.dma_semaphore, #tpu.memory_space<semaphore_mem>>) src(%dma_wait3A_145 : memref<8x1024xf32, #tpu.memory_space<vmem>>) dst(%dma_wait3A_141 : memref<8x1024xf32, #tpu.memory_space<hbm>>)
    %add3A_146 = arith.constant 120 : i32
    %add3A_147 = arith.addi %mul3A_2, %add3A_146 : i32
    %dma_wait3A_148 = arith.constant 3 : i32
    %dma_wait3A_149 = arith.constant 3 : i32
    %dma_wait3A_150 = arith.constant 0 : i32
    %dma_wait3A_151 = arith.constant 0 : i32
    %dma_wait3A_152 = tpu.memref_slice %arg7[%dma_wait3A_148, %dma_wait3A_150, %dma_wait3A_151] : memref<4x8x1024xf32, #tpu.memory_space<vmem>> -> memref<1x8x1024xf32, #tpu.memory_space<vmem>>
    %dma_wait3A_153 = tpu.memref_squeeze %dma_wait3A_152 : memref<1x8x1024xf32, #tpu.memory_space<vmem>> -> memref<8x1024xf32, #tpu.memory_space<vmem>>
    %dma_wait3A_154 = arith.constant 0 : i32
    %dma_wait3A_155 = tpu.memref_slice %arg4[%dma_wait3A_149, %add3A_147, %dma_wait3A_154] : memref<4x4096x1024xf32, #tpu.memory_space<hbm>> -> memref<1x8x1024xf32, #tpu.memory_space<hbm>>
    %dma_wait3A_156 = tpu.memref_squeeze %dma_wait3A_155 : memref<1x8x1024xf32, #tpu.memory_space<hbm>> -> memref<8x1024xf32, #tpu.memory_space<hbm>>
    %dma_wait3A_157 = arith.constant 0 : i32
    %dma_wait3A_158 = tpu.memref_slice %arg4[%dma_wait3A_149, %add3A_147, %dma_wait3A_157] : memref<4x4096x1024xf32, #tpu.memory_space<hbm>> -> memref<1x8x1024xf32, #tpu.memory_space<hbm>>
    %dma_wait3A_159 = tpu.memref_squeeze %dma_wait3A_158 : memref<1x8x1024xf32, #tpu.memory_space<hbm>> -> memref<8x1024xf32, #tpu.memory_space<hbm>>
    %dma_wait3A_160 = arith.constant 0 : i32
    %dma_wait3A_161 = arith.constant 0 : i32
    %dma_wait3A_162 = tpu.memref_slice %arg7[%dma_wait3A_148, %dma_wait3A_160, %dma_wait3A_161] : memref<4x8x1024xf32, #tpu.memory_space<vmem>> -> memref<1x8x1024xf32, #tpu.memory_space<vmem>>
    %dma_wait3A_163 = tpu.memref_squeeze %dma_wait3A_162 : memref<1x8x1024xf32, #tpu.memory_space<vmem>> -> memref<8x1024xf32, #tpu.memory_space<vmem>>
    tpu.wait_dma2 semaphore(%arg17 : memref<!tpu.dma_semaphore, #tpu.memory_space<semaphore_mem>>) src(%dma_wait3A_163 : memref<8x1024xf32, #tpu.memory_space<vmem>>) dst(%dma_wait3A_159 : memref<8x1024xf32, #tpu.memory_space<hbm>>)
    return
  }
}

</mosaic_0001>

<sc_bundles>
// kernel: kernel.3.cloned.1.call-start
scs
__scs_entry_jumppad:
0x0: {  	(pc) =	sbr.rel $0x88, $3  }
0x1: {  	(tag) =	ssettag $0x0;
	lr =	simm.s32 $0x1  }
0x2: {  	[smem:$0x3F9F] =	sst lr;
	_ =	strace $0xD0000000  }
0x3: {  	_ = 	snop  }
0x4: {  	_ = 	snop  }
0x5: {  	_ = 	snop  }
0x6: {  	_ = 	snop  }
0x7: {  	_ = 	snop  }
__scs_overlays_trampoline_lowered:
0x8: {  	[smem:$0x3FAE] =	sst s0  }
0x9: {  	[smem:$0x3FAF] =	sst s1  }
0xa: {  	[smem:$0x3FB0] =	sst s2  }
0xb: {  	[smem:$0x3FB1] =	sst s3  }
0xc: {  	[smem:$0x3FB2] =	sst s4  }
0xd: {  	[smem:$0x3FB3] =	sst s5  }
0xe: {  	[smem:$0x3FB4] =	sst s6  }
0xf: {  	[smem:$0x3FB5] =	sst s7  }
0x10: {  	[smem:$0x3FB6] =	sst s8  }
0x11: {  	[smem:$0x3FB7] =	sst s9;
	s0 =	simm.s32 @!p0 $0x0  }
0x12: {  	s1 =	sld [smem:$0x3F9D];
	s0 =	simm.s32 @p0 $0x1  }
0x13: {  	[smem:$0x3FB8] =	sst s0;
	s0 =	simm.s32 @!p1 $0x0  }
0x14: {  	s2 =	sld [smem:$0x3F9C];
	s0 =	simm.s32 @p1 $0x1  }
0x15: {  	[smem:$0x3FB9] =	sst s0;
	s0 =	simm.s32 @!p2 $0x0  }
0x16: {  	s3 =	sld [smem:$0x3FDB];
	s0 =	simm.s32 @p2 $0x1  }
0x17: {  	s4 =	simm.s32 $0x1BF5;
	[smem:$0x3FBB] =	sst s0  }
0x18: {  	s0 =	sld [smem:$0x3F9E];
	_ =	swait.ge [sflag:s4], $0x0  }
0x19: {  	s7 =	sld [smem:$0x3F9F]  }
0x1a: {  	s8 =	sadd.s32 $0xFFFFE003, lr  }
0x1b: {  	s9 =	sadd.s32 $0xFFFFFEF7, lr;
	s5 =	simm.s32 $0xFFFFFFFF;
	p2 =	slt.u32 s8, $0xFFFFF086  }
0x1c: {  	p1 =	slt.u32 s9, $0xF7A;
	s5 =	simm.s32 @!p2 $0x0  }
0x1d: {  	s5 =	simm.s32 @p1 $0x1;
	p0 =	seq.s32 s7, s2  }
0x1e: {  	s7 =	smul.u32 @!p0 $0xF7A, s2;
	p2 =	seq.s32 @!p0 s5, $0x0  }
0x1f: {  	s9 =	smul.u32 $0xF7A, s1;
	s8 =	simm.s32 @!p0 $0x1BF5;
	p2 =	por !p2, p0  }
0x20: {  	[sflag:s8] =	ssyncset.s32 @!p0 $0xFFFFF086;
	s6 =	sadd.s32 @!p0 s3, s7;
	s7 =	simm.s32 @!p0 $0x108  }
0x21: {  	s3 =	sadd.s32 s3, s9;
	s6 =	sadd.s32 @!p0 $0x88, s6;
	s7 =	simm.s32 @p2 $0x1082  }
0x22: {  	[simem:s7], [sflag:s8] =	dma.local @!p0 [hbm:s6], $0xF7A  }
0x23: {  	s9 =	sor.u32 $0xD0000000, s2;
	s6 =	simm.s32 $0x108;
	_ =	swait.ge @!p0 [sflag:s8], $0x0  }
0x24: {  	s3 =	sadd.s32 $0x88, s3;
	s6 =	simm.s32 @!p1 $0x1082;
	[sflag:s4] =	ssyncset.s32 $0xFFFFF086  }
0x25: {  	[simem:s6], [sflag:s4] =	dma.local [hbm:s3], $0xF7A  }
0x26: {  	[smem:$0x3F9F] =	sst s1;
	(tag) =	ssettag s2;
	_ =	strace s9  }
0x27: {  	s1 =	sld [smem:$0x3FAF]  }
0x28: {  	s2 =	sld [smem:$0x3FB0]  }
0x29: {  	s4 =	sld [smem:$0x3FB2]  }
0x2a: {  	p0 =	seq.s32 s5, $0x0;
	s5 =	sld [smem:$0x3FB3]  }
0x2b: {  	s6 =	sld [smem:$0x3FB4]  }
0x2c: {  	s7 =	sld [smem:$0x3FB5]  }
0x2d: {  	s3 =	simm.s32 $0x108;
	s8 =	sld [smem:$0x3FB6]  }
0x2e: {  	s3 =	simm.s32 @!p0 $0x1082;
	s9 =	sld [smem:$0x3FB7]  }
0x2f: {  	lr =	sadd.s32 s0, s3;
	s0 =	sld [smem:$0x3FAE]  }
0x30: {  	s3 =	sld [smem:$0x3FB1]  }
0x31: {  	[smem:$0x3FBA] =	sst s10  }
0x32: {  	s10 =	sld [smem:$0x3FB8];
	_ =	sdelay $0x3  }
0x33: {  	p0 =	seq.s32 s10, $0x1;
	s10 =	sld [smem:$0x3FBA];
	_ =	sdelay $0x3  }
0x34: {  	[smem:$0x3FBA] =	sst s10  }
0x35: {  	s10 =	sld [smem:$0x3FB9];
	_ =	sdelay $0x3  }
0x36: {  	p1 =	seq.s32 s10, $0x1;
	s10 =	sld [smem:$0x3FBA];
	_ =	sdelay $0x3  }
0x37: {  	[smem:$0x3FBA] =	sst s10  }
0x38: {  	s10 =	sld [smem:$0x3FBB]  }
0x39: {  	_ = 	snop;
	(pc) =	sbr.ind lr, $3  }
0x3a: {  	_ = 	snop  }
0x3b: {  	_ = 	snop  }
0x3c: {  	p2 =	seq.s32 s10, $0x1;
	s10 =	sld [smem:$0x3FBA]  }
0x3d: {  	_ =	shalt  }
0x3e: {  	_ =	shalt  }
0x3f: {  	_ =	shalt  }
0x40: {  	_ =	shalt  }
0x41: {  	_ =	shalt  }
0x42: {  	_ =	shalt  }
0x43: {  	_ =	shalt  }
0x44: {  	_ =	shalt  }
0x45: {  	_ =	shalt  }
0x46: {  	_ =	shalt  }
0x47: {  	_ =	shalt  }
0x48: {  	_ =	shalt  }
0x49: {  	_ =	shalt  }
0x4a: {  	_ =	shalt  }
0x4b: {  	_ =	shalt  }
0x4c: {  	_ =	shalt  }
0x4d: {  	_ =	shalt  }
0x4e: {  	_ =	shalt  }
0x4f: {  	_ =	shalt  }
0x50: {  	_ =	shalt  }
0x51: {  	_ =	shalt  }
0x52: {  	_ =	shalt  }
0x53: {  	_ =	shalt  }
0x54: {  	_ =	shalt  }
0x55: {  	_ =	shalt  }
0x56: {  	_ =	shalt  }
0x57: {  	_ =	shalt  }
0x58: {  	_ =	shalt  }
0x59: {  	_ =	shalt  }
0x5a: {  	_ =	shalt  }
0x5b: {  	_ =	shalt  }
0x5c: {  	_ =	shalt  }
0x5d: {  	_ =	shalt  }
0x5e: {  	_ =	shalt  }
0x5f: {  	_ =	shalt  }
0x60: {  	_ =	shalt  }
0x61: {  	_ =	shalt  }
0x62: {  	_ =	shalt  }
0x63: {  	_ =	shalt  }
0x64: {  	_ =	shalt  }
0x65: {  	_ =	shalt  }
0x66: {  	_ =	shalt  }
0x67: {  	_ =	shalt  }
0x68: {  	_ =	shalt  }
0x69: {  	_ =	shalt  }
0x6a: {  	_ =	shalt  }
0x6b: {  	_ =	shalt  }
0x6c: {  	_ =	shalt  }
0x6d: {  	_ =	shalt  }
0x6e: {  	_ =	shalt  }
0x6f: {  	_ =	shalt  }
0x70: {  	_ =	shalt  }
0x71: {  	_ =	shalt  }
0x72: {  	_ =	shalt  }
0x73: {  	_ =	shalt  }
0x74: {  	_ =	shalt  }
0x75: {  	_ =	shalt  }
0x76: {  	_ =	shalt  }
0x77: {  	_ =	shalt  }
0x78: {  	_ =	shalt  }
0x79: {  	_ =	shalt  }
0x7a: {  	_ =	shalt  }
0x7b: {  	_ =	shalt  }
0x7c: {  	_ =	shalt  }
0x7d: {  	_ =	shalt  }
0x7e: {  	_ =	shalt  }
0x7f: {  	_ =	shalt  }
0x80: {  	_ =	shalt  }
0x81: {  	_ =	shalt  }
0x82: {  	_ =	shalt  }
0x83: {  	_ =	shalt  }
0x84: {  	_ =	shalt  }
0x85: {  	_ =	shalt  }
0x86: {  	_ =	shalt  }
0x87: {  	_ =	shalt  }
.Lfunc_end0:
.L_simem_size_0:
called_computation_lowered:
.L_overlay_start_0:
0x88: {  	s2 =	sld [smem:$0x3FD9]  }
0x89: {  	s3 =	sld [smem:$0x3FFE];
	_ =	sdelay $0x1  }
0x8a: {  	s1 =	srdreg.scid  }
0x8b: {  	s0 =	sand.u32 $0x1, s1  }
0x8c: {  	s18 =	sshll.u32 s0, $0xA;
	s2 =	sadd.s32 s3, s2  }
0x8d: {  	s2 =	sadd.s32 s2, s18  }
0x8e: {  	[smem:$0x3FC6] =	sst s2  }
0x8f: {  	_ = 	snop  }
0x90: {  	s2 =	sld [smem:$0x3FC9]  }
0x91: {  	s19 =	sld [smem:$0x3FC8]  }
0x92: {  	s4 =	sld [smem:$0x3FD0];
	(tm) =	ssettm $0x1  }
0x93: {  	s5 =	sld [smem:$0x3FFB];
	_ =	sdelay $0x3  }
0x94: {  	_ =	strace s5  }
0x95: {  	s5 =	sld [smem:$0x3FFC];
	_ =	sdelay $0x3  }
0x96: {  	_ =	strace s5  }
0x97: {  	s5 =	sld [smem:$0x3FFD];
	_ =	sdelay $0x3  }
0x98: {  	_ =	strace s5  }
0x99: {  	_ =	strace $0x8FFFFFFF  }
0x9a: {  	s20 =	sld [smem:$0x3FDB];
	_ =	sdelay $0x1  }
0x9b: {  	s6 =	simm.s32 $_scs_section_size  }
0x9c: {  	s7 =	simm.s32 $_size__tile_overlayer_lowered;
	s8 =	simm.s32 $_tile_overlayer_lowered  }
0x9d: {  	s23 =	simm.s32 $0x1BFF;
	s22 =	sshll.u32 s8, $0x1;
	s5 =	sadd.s32 s6, s20  }
0x9e: {  	s9 =	simm.s32 $0x0;
	s21 =	sshll.u32 s7, $0x1;
	s7 =	sadd.s32 s22, s5  }
0x9f: {  	[timem:s9], [sflag:s23] =	dma.local [hbm:s7], s21  }
0xa0: {  	_ =	swait.ge [sflag:s23], s21  }
0xa1: {  	s6 =	ssub.s32 $0x0, s21;
	[sflag:s23] =	ssyncset.done $0x0  }
0xa2: {  	[sflag:s23] =	ssyncadd.s32 s6;
	_ =	sdelay $0x1  }
0xa3: {  	s24 =	simm.s32 $0x1B8B  }
0xa4: {  	_ =	swait.ge [sflag:s24], $0x1  }
0xa5: {  	[sflag:s24] =	ssyncset.done $0x0  }
0xa6: {  	s25 =	simm.s32 $0x1B8E;
	[sflag:s24] =	ssyncadd.s32 $0xFFFFFFFF  }
0xa7: {  	s26 =	simm.s32 $execute0_lowered;
	[smem:$0x3FD2] =	sst s25  }
0xa8: {  	s6 =	sshll.u32 s26, $0x1;
	_ =	strace $0x80000046;
	[dreg:$0x1] =	wrdreg $0xFFFFFFFF  }
0xa9: {  	s28 =	simm.s32 $_size_execute0_lowered;
	s5 =	sadd.s32 s5, s6;
	[dreg:$0x0] =	wrdreg $0x0  }
0xaa: {  	s6 =	sshll.u32 s28, $0x1;
	[dreg:$0x2] =	wrdreg s5  }
0xab: {  	[dreg:$0x3] =	wrdreg s6  }
0xac: {  	[dreg:$0x4] =	wrdreg $0xC0  }
0xad: {  	_ =	task [dreg:s9], $0x5FFFF  }
0xae: {  	[dreg:$0x1] =	wrdreg $0xFFFFFFFF  }
0xaf: {  	[dreg:$0x0] =	wrdreg $0x60  }
0xb0: {  	[dreg:$0x2] =	wrdreg s2  }
0xb1: {  	[dreg:$0x3] =	wrdreg s19  }
0xb2: {  	[dreg:$0x4] =	wrdreg s4  }
0xb3: {  	[dreg:$0x5] =	wrdreg $0x9  }
0xb4: {  	_ =	task.clear_ibuf [dreg:s9], $0x6FFFF;
	_ =	strace $0x90000046  }
0xb5: {  	s29 =	simm.s32 $0x9;
	_ =	strace $0x80000048  }
0xb6: {  	_ =	swait.ge [sflag:s29], $0x1  }
0xb7: {  	[sflag:s29] =	ssyncadd.s32 $0xFFFFFFFF  }
0xb8: {  	_ =	strace $0x90000048  }
0xb9: {  	_ =	sfence  }
0xba: {  	s30 =	sld [smem:$0x0];
	_ =	sdelay $0x2  }
0xbb: {  	s31 =	sshll.u32 s1, $0xD;
	s1 =	sshrl.u32 s1, $0x2  }
0xbc: {  	s3 =	sand.u32 $0x4000, s31;
	s1 =	sadd.s32 s1, s30  }
0xbd: {  	s0 =	sor.u32 s3, s0;
	s1 =	sshll.u32 s1, $0x11  }
0xbe: {  	s0 =	sor.u32 s1, s0  }
0xbf: {  	s0 =	sadd.s32 $0x8F2B, s0  }
0xc0: {  	[sflag:s0] =	ssyncadd.remote.s32 $0x1  }
0xc1: {  	_ =	sfence.sel $0xFFFF  }
0xc2: {  	[dreg:$0x0] =	wrdreg $0xFFFFFFFF;
	(pc) =	sbr.abs _section_cstart, $3  }
0xc3: {  	[dreg:$0x1] =	wrdreg $0xFFFFFFFF  }
0xc4: {  	_ =	task.clear_ibuf [dreg:s9], $0x2FFFF;
	_ =	strace $0x9FFFFFFF  }
0xc5: {  	(tm) =	ssettm $0x7FFFFFFF  }
tec
execute0_lowered:
.L_overlay_start_1:
0x0: {  	(tag) =	ssettag $0x1  }
0x1: {  	s0 =	rddreg [dreg:$0x0]  }
0x2: {  	s23 =	rddreg [dreg:$0x1]  }
0x3: {  	s24 =	rddreg [dreg:$0x2];
	s1 =	srdreg.scid  }
0x4: {  	s2 =	stileid.u32;
	s4 =	simm.s32 $0x0;
	s29 =	simm.s32 $0x5  }
0x5: {  	s31 =	simm.s32 $0x1;
	s6 =	simm.s32 $0x3;
	s1 =	sand.u32 $0x1, s1  }
0x6: {  	s11 =	simm.s32 $0x4;
	s2 =	sshll.u32 s2, $0x8;
	s3 =	sshll.u32 s1, $0x7  }
0x7: {  	s13 =	simm.s32 $0x6;
	s30 =	simm.s32 $0x8;
	s2 =	sor.u32 s3, s2  }
0x8: {  	[smem:$0x7FF] =	sst s4;
	s8 =	sadd.s32 $0x80000, s0;
	s22 =	sshrl.u32 s2, $0x3  }
0x9: {  	_ =	strace $0x80000047;
	s25 =	sor.u32 $0x8, s2;
	[dreg:$0xa] =	wrdreg s22  }
0xa: {  	s9 =	sadd.s32 $0x100000, s0;
	s5 =	sshll.u32 s2, $0x7;
	[dreg:$0xe] =	wrdreg s25  }
0xb: {  	s10 =	sadd.s32 $0x180000, s0;
	s17 =	sadd.s32 s23, s5;
	[dreg:$0x4] =	wrdreg s5  }
0xc: {  	s1 =	ssub.s32 $0x2, s1;
	s18 =	sadd.s32 s0, s5;
	[dreg:$0x5] =	wrdreg s17  }
0xd: {  	s16 =	sshrl.u32 s1, $0x1;
	s19 =	sadd.s32 s5, s8;
	[dreg:$0x6] =	wrdreg s18  }
0xe: {  	s1 =	ssub.s32 s1, s16;
	s20 =	sadd.s32 s5, s9;
	[dreg:$0x7] =	wrdreg s19  }
0xf: {  	s16 =	sadd.s32 $0x80000, s24;
	s21 =	sadd.s32 s5, s10;
	[dreg:$0x8] =	wrdreg s20  }
0x10: {  	s2 =	simm.s32 $0x0;
	s3 =	sor.u32 $0x2, s22;
	[dreg:$0x9] =	wrdreg s21  }
0x11: {  	s0 =	sadd.s32 $0x400, s0;
	s26 =	smax.u32 s1, $0x1;
	[dreg:$0xc] =	wrdreg s3  }
0x12: {  	s28 =	sor.u32 $0x400, s5;
	s1 =	simm.s32 $0x2;
	[dreg:$0xb] =	wrdreg s0  }
0x13: {  	s22 =	simm.s32 $0x7;
	s25 =	simm.s32 $0x9;
	[dreg:$0xf] =	wrdreg s26  }
0x14: {  	s17 =	sadd.s32 $0x100000, s24;
	s0 =	sadd.s32 s5, s0;
	[dreg:$0x10] =	wrdreg s28  }
0x15: {  	s18 =	sadd.s32 $0x180000, s24;
	s26 =	simm.s32 $0xA;
	[dreg:$0xd] =	wrdreg s0  }
.LBB2_1:
0x16: {  	[dreg:$0x11] =	wrdreg s2  }
0x17: {  	s0 =	rddreg [dreg:$0x5];
	s5 =	simm.s32 $0x8000  }
0x18: {  	[tilespmem:s5], [sflag:$0x5] =	stream.linear.gather [hbm4b:s0+s4], $0x2000, $0x38;
	[tilespmem:$0x14000] =	vst v63  }
0x19: {  	s7 =	rddreg [dreg:$0x6]  }
0x1a: {  	[tilespmem:s4], [sflag:$0x1] =	stream.linear.gather [hbm4b:s7+s4], $0x2000, $0x38;
	[tilespmem:$0x14000] =	vst v63  }
0x1b: {  	s12 =	rddreg [dreg:$0x7];
	s14 =	simm.s32 $0x2000  }
0x1c: {  	[tilespmem:s14], [sflag:$0x2] =	stream.linear.gather [hbm4b:s12+s4], $0x2000, $0x38;
	[tilespmem:$0x14000] =	vst v63  }
0x1d: {  	s15 =	rddreg [dreg:$0x8];
	s19 =	simm.s32 $0x4000  }
0x1e: {  	[tilespmem:s19], [sflag:$0x3] =	stream.linear.gather [hbm4b:s15+s4], $0x2000, $0x38;
	[tilespmem:$0x14000] =	vst v63  }
0x1f: {  	s20 =	rddreg [dreg:$0x9];
	s21 =	simm.s32 $0x6000;
	s28 =	simm.s32 $0x0  }
0x20: {  	[tilespmem:s21], [sflag:$0x4] =	stream.linear.gather [hbm4b:s20+s4], $0x2000, $0x38;
	[tilespmem:$0x14000] =	vst v63  }
.LBB2_2:
0x21: {  	_ =	swait.ge [sflag:s29], $0x2000  }
0x22: {  	s3 =	sshllo.u32 s28, $0x1;
	s0 =	rddreg [dreg:$0xa]  }
0x23: {  	s2 =	sor.u32 s0, s3  }
0x24: {  	[sflag:s29] =	ssyncset.done $0x0;
	s2 =	sshll.u32 s2, $0xA  }
0x25: {  	s20 =	simm.s32 $0xA000;
	[sflag:s29] =	ssyncadd.s32 $0xFFFFE000;
	s5 =	sadd.s32 s23, s2  }
0x26: {  	[tilespmem:s20], [sflag:$0x6] =	stream.linear.gather [hbm4b:s5+s4], $0x2000, $0x38;
	[tilespmem:$0x14000] =	vst v63  }
0x27: {  	_ =	swait.ge [sflag:s31], $0x2000  }
0x28: {  	p0 =	seq.s32 s28, $0x0;
	[sflag:s31] =	ssyncset.done $0x0  }
0x29: {  	s14 =	simm.s32 $0x0;
	s5 =	simm.s32 @!p0 $0x7;
	[sflag:s31] =	ssyncadd.s32 $0xFFFFE000  }
0x2a: {  	s15 =	sand.u32 $0x1C00, s14;
	_ =	swait.ge @!p0 [sflag:s5], $0x2000  }
0x2b: {  	s19 =	sor.u32 s15, s14;
	[sflag:s5] =	ssyncset.done @!p0 $0x0  }
0x2c: {  	s21 =	sor.u32 $0x70, s19;
	[sflag:s5] =	ssyncadd.s32 @!p0 $0xFFFFE000  }
0x2d: {  	s7 =	smov.u32 s23;
	s23 =	sand.u32 $0x380, s14;
	v0 =	vld [tilespmem:s21+$0x0]  }
0x2e: {  	s19 =	sor.u32 s23, s15;
	v1 =	vld [tilespmem:s21+$0x8000]  }
0x2f: {  	v2 =	vld [tilespmem:s19+$0x0]  }
0x30: {  	v3 =	vld [tilespmem:s19+$0x8000]  }
0x31: {  	v4 =	vld [tilespmem:s19+$0x10]  }
0x32: {  	v5 =	vld [tilespmem:s19+$0x8010]  }
0x33: {  	v6 =	vld [tilespmem:s19+$0x20]  }
0x34: {  	v7 =	vld [tilespmem:s19+$0x8020]  }
0x35: {  	v1 =	vadd.f32 v1, v0;
	v0 =	vld [tilespmem:s19+$0x30]  }
0x36: {  	v2 =	vadd.f32 v3, v2;
	v3 =	vld [tilespmem:s19+$0x8030]  }
0x37: {  	v4 =	vadd.f32 v5, v4;
	[tilespmem:s21+$0xC000] =	vst v1;
	v1 =	vld [tilespmem:s19+$0x40]  }
0x38: {  	[tilespmem:s19+$0xC000] =	vst v2;
	v2 =	vld [tilespmem:s19+$0x8040]  }
0x39: {  	s15 =	simm.s32 $0x0;
	s20 =	simm.s32 $0x400;
	s5 =	sshll.u32 s28, $0x1;
	v5 =	vadd.f32 v7, v6;
	[tilespmem:s19+$0xC010] =	vst v4;
	v4 =	vld [tilespmem:s19+$0x50]  }
.LBB2_3:
0x3a: {  	s21 =	sand.u32 $0x1C00, s20;
	v6 =	vld [tilespmem:s19+$0x8050];
	s14 =	sadd.s32 $0x10, s14  }
0x3b: {  	s15 =	sadd.s32 $0x8, s15;
	s23 =	sand.u32 $0x380, s14;
	s0 =	sor.u32 s21, s14;
	[tilespmem:s19+$0xC020] =	vst v5;
	v0 =	vadd.f32 v3, v0;
	v3 =	vld [tilespmem:s19+$0x60]  }
0x3c: {  	p1 =	slt.u32 s15, $0x1F8;
	s21 =	sor.u32 s23, s21;
	s0 =	sor.u32 $0x70, s0;
	v5 =	vld [tilespmem:s19+$0x8060]  }
0x3d: {  	v7 =	vld [tilespmem:s0+$0x0];
	[tilespmem:s19+$0xC030] =	vst v0;
	v0 =	vadd.f32 v2, v1  }
0x3e: {  	v1 =	vld [tilespmem:s0+$0x8000]  }
0x3f: {  	v2 =	vld [tilespmem:s21+$0x0];
	[tilespmem:s19+$0xC040] =	vst v0;
	v0 =	vadd.f32 v6, v4  }
0x40: {  	v4 =	vld [tilespmem:s21+$0x8000]  }
0x41: {  	v6 =	vld [tilespmem:s21+$0x10];
	[tilespmem:s19+$0xC050] =	vst v0;
	v0 =	vadd.f32 v5, v3  }
0x42: {  	v5 =	vld [tilespmem:s21+$0x8010]  }
0x43: {  	v8 =	vld [tilespmem:s21+$0x20];
	v1 =	vadd.f32 v1, v7;
	[tilespmem:s19+$0xC060] =	vst v0;
	s19 =	smov.u32 s21  }
0x44: {  	v7 =	vld [tilespmem:s19+$0x8020]  }
.Ltmp0:
0x45: {  	v2 =	vadd.f32 v4, v2;
	v0 =	vld [tilespmem:s19+$0x30];
	[tilespmem:s0+$0xC000] =	vst v1;
	(pc) =	sbr.rel @p1 .LBB2_3-.Ltmp0, $4  }
0x46: {  	v3 =	vld [tilespmem:s19+$0x8030]  }
0x47: {  	[tilespmem:s19+$0xC000] =	vst v2;
	v4 =	vadd.f32 v5, v6;
	v1 =	vld [tilespmem:s19+$0x40]  }
0x48: {  	v2 =	vld [tilespmem:s19+$0x8040]  }
0x49: {  	s20 =	sadd.s32 $0x400, s20;
	[tilespmem:s19+$0xC010] =	vst v4;
	v5 =	vadd.f32 v7, v8;
	v4 =	vld [tilespmem:s19+$0x50]  }
0x4a: {  	v6 =	vld [tilespmem:s19+$0x8050]  }
0x4b: {  	v7 =	vld [tilespmem:s19+$0x60]  }
0x4c: {  	v8 =	vld [tilespmem:s19+$0x8060]  }
0x4d: {  	v0 =	vadd.f32 v3, v0  }
0x4e: {  	[tilespmem:s19+$0xC020] =	vst v5;
	v1 =	vadd.f32 v2, v1  }
0x4f: {  	[tilespmem:s19+$0xC030] =	vst v0;
	v0 =	vadd.f32 v6, v4  }
0x50: {  	[tilespmem:s19+$0xC040] =	vst v1  }
0x51: {  	v1 =	vadd.f32 v8, v7;
	[tilespmem:s19+$0xC050] =	vst v0  }
0x52: {  	s15 =	sshll.u32 s28, $0xB;
	s0 =	rddreg [dreg:$0x4]  }
0x53: {  	[tilespmem:s19+$0xC060] =	vst v1;
	s14 =	sadd.s32 s0, s15  }
0x54: {  	s20 =	simm.s32 $0xC000;
	s21 =	rddreg [dreg:$0xb];
	s0 =	sadd.s32 s24, s14  }
0x55: {  	[hbm4b:s0+s4] =	stream.linear.scatter [tilespmem:s20], [sflag:$0x7], $0x2000, $0x38;
	[tilespmem:$0x14000] =	vst v63  }
0x56: {  	s0 =	sadd.s32 s14, s21  }
0x57: {  	[tilespmem:s4], [sflag:$0x1] =	stream.linear.gather [hbm4b:s0+s4], $0x2000, $0x38;
	[tilespmem:$0x14000] =	vst v63  }
0x58: {  	_ =	swait.ge [sflag:s1], $0x2000  }
0x59: {  	[sflag:s1] =	ssyncset.done $0x0  }
0x5a: {  	s0 =	simm.s32 @!p0 $0x8;
	[sflag:s1] =	ssyncadd.s32 $0xFFFFE000  }
0x5b: {  	s12 =	smov.u32 s24;
	s20 =	simm.s32 $0x0;
	_ =	swait.ge @!p0 [sflag:s0], $0x2000  }
0x5c: {  	s21 =	sand.u32 $0x1C00, s20;
	s23 =	sand.u32 $0x380, s20;
	[sflag:s0] =	ssyncset.done @!p0 $0x0  }
0x5d: {  	s19 =	sor.u32 s23, s21;
	s24 =	sor.u32 s21, s20;
	[sflag:s0] =	ssyncadd.s32 @!p0 $0xFFFFE000  }
0x5e: {  	s0 =	sor.u32 $0x2070, s24;
	v0 =	vld [tilespmem:s19+$0x8070]  }
0x5f: {  	v2 =	vld [tilespmem:s0+$0x0]  }
0x60: {  	v3 =	vld [tilespmem:s19+$0x2000]  }
0x61: {  	v5 =	vld [tilespmem:s19+$0x8000]  }
0x62: {  	v6 =	vld [tilespmem:s19+$0x2010]  }
0x63: {  	v7 =	vld [tilespmem:s19+$0x8010]  }
0x64: {  	v8 =	vld [tilespmem:s19+$0x2020]  }
0x65: {  	v9 =	vld [tilespmem:s19+$0x8020]  }
0x66: {  	v1 =	vld [tilespmem:s19+$0x2030]  }
0x67: {  	v4 =	vld [tilespmem:s19+$0x8030];
	v2 =	vadd.f32 v0, v2  }
0x68: {  	v0 =	vld [tilespmem:s19+$0x2040];
	v6 =	vadd.f32 v7, v6  }
0x69: {  	v5 =	vadd.f32 v5, v3;
	v3 =	vld [tilespmem:s19+$0x8040];
	[tilespmem:s0+$0xC000] =	vst v2  }
0x6a: {  	v2 =	vld [tilespmem:s19+$0x2050];
	[tilespmem:s19+$0xE010] =	vst v6;
	v6 =	vadd.f32 v9, v8  }
0x6b: {  	s20 =	simm.s32 $0x0;
	s21 =	simm.s32 $0x400;
	s23 =	simm.s32 $0x10;
	[tilespmem:s19+$0xE000] =	vst v5;
	v5 =	vld [tilespmem:s19+$0x8050]  }
.LBB2_5:
0x6c: {  	s0 =	sand.u32 $0x1C00, s21;
	s24 =	sand.u32 $0x380, s23;
	s20 =	sadd.s32 $0x8, s20;
	[tilespmem:s19+$0xE020] =	vst v6;
	v1 =	vadd.f32 v4, v1;
	v4 =	vld [tilespmem:s19+$0x2060]  }
0x6d: {  	s24 =	sor.u32 s24, s0;
	s0 =	sor.u32 s0, s23;
	p1 =	slt.u32 s20, $0x1F8;
	v6 =	vld [tilespmem:s19+$0x8060]  }
0x6e: {  	s0 =	sor.u32 $0x2070, s0;
	v7 =	vld [tilespmem:s24+$0x8070];
	[tilespmem:s19+$0xE030] =	vst v1;
	v0 =	vadd.f32 v3, v0  }
0x6f: {  	v1 =	vld [tilespmem:s0+$0x0]  }
0x70: {  	v3 =	vld [tilespmem:s24+$0x2000];
	[tilespmem:s19+$0xE040] =	vst v0;
	v0 =	vadd.f32 v5, v2  }
0x71: {  	v2 =	vld [tilespmem:s24+$0x8000]  }
0x72: {  	v5 =	vld [tilespmem:s24+$0x2010];
	[tilespmem:s19+$0xE050] =	vst v0;
	v0 =	vadd.f32 v6, v4  }
0x73: {  	v6 =	vld [tilespmem:s24+$0x8010]  }
0x74: {  	v8 =	vld [tilespmem:s24+$0x2020];
	v4 =	vadd.f32 v7, v1;
	[tilespmem:s19+$0xE060] =	vst v0;
	s19 =	smov.u32 s24  }
0x75: {  	v7 =	vld [tilespmem:s19+$0x8020]  }
0x76: {  	v0 =	vadd.f32 v2, v3;
	v1 =	vld [tilespmem:s19+$0x2030];
	[tilespmem:s0+$0xC000] =	vst v4  }
.Ltmp1:
0x77: {  	v4 =	vld [tilespmem:s19+$0x8030];
	(pc) =	sbr.rel @p1 .LBB2_5-.Ltmp1, $4  }
0x78: {  	[tilespmem:s19+$0xE000] =	vst v0;
	v2 =	vadd.f32 v6, v5;
	v0 =	vld [tilespmem:s19+$0x2040]  }
0x79: {  	v3 =	vld [tilespmem:s19+$0x8040]  }
0x7a: {  	[tilespmem:s19+$0xE010] =	vst v2;
	v6 =	vadd.f32 v7, v8;
	v2 =	vld [tilespmem:s19+$0x2050]  }
0x7b: {  	s21 =	sadd.s32 $0x400, s21;
	s23 =	sadd.s32 $0x10, s23;
	v5 =	vld [tilespmem:s19+$0x8050]  }
0x7c: {  	v7 =	vld [tilespmem:s19+$0x2060]  }
0x7d: {  	v8 =	vld [tilespmem:s19+$0x8060];
	_ =	sdelay $0x1  }
0x7e: {  	v1 =	vadd.f32 v4, v1  }
0x7f: {  	[tilespmem:s19+$0xE020] =	vst v6;
	v0 =	vadd.f32 v3, v0  }
0x80: {  	[tilespmem:s19+$0xE030] =	vst v1;
	v1 =	vadd.f32 v5, v2  }
0x81: {  	[tilespmem:s19+$0xE040] =	vst v0;
	v0 =	vadd.f32 v8, v7  }
0x82: {  	[tilespmem:s19+$0xE050] =	vst v1  }
0x83: {  	s0 =	sadd.s32 s14, s16;
	s24 =	simm.s32 $0xE000;
	[tilespmem:s19+$0xE060] =	vst v0  }
0x84: {  	[hbm4b:s0+s4] =	stream.linear.scatter [tilespmem:s24], [sflag:$0x8], $0x2000, $0x38;
	[tilespmem:$0x14000] =	vst v63  }
0x85: {  	s20 =	rddreg [dreg:$0x10]  }
0x86: {  	s15 =	sadd.s32 s20, s15  }
0x87: {  	s21 =	simm.s32 $0x2000;
	s0 =	sadd.s32 s15, s8  }
0x88: {  	[tilespmem:s21], [sflag:$0x2] =	stream.linear.gather [hbm4b:s0+s4], $0x2000, $0x38;
	[tilespmem:$0x14000] =	vst v63  }
0x89: {  	_ =	swait.ge [sflag:s6], $0x2000  }
0x8a: {  	[sflag:s6] =	ssyncset.done $0x0  }
0x8b: {  	s0 =	simm.s32 @!p0 $0x9;
	[sflag:s6] =	ssyncadd.s32 $0xFFFFE000  }
0x8c: {  	s20 =	simm.s32 $0x0;
	_ =	swait.ge @!p0 [sflag:s0], $0x2000  }
0x8d: {  	s23 =	sand.u32 $0x380, s20;
	s21 =	sand.u32 $0x1C00, s20;
	[sflag:s0] =	ssyncset.done @!p0 $0x0  }
0x8e: {  	s19 =	sor.u32 s23, s21;
	s24 =	sor.u32 s21, s20;
	[sflag:s0] =	ssyncadd.s32 @!p0 $0xFFFFE000  }
0x8f: {  	s0 =	sor.u32 $0x4070, s24;
	v0 =	vld [tilespmem:s19+$0x8070]  }
0x90: {  	v2 =	vld [tilespmem:s0+$0x0]  }
0x91: {  	v3 =	vld [tilespmem:s19+$0x4000]  }
0x92: {  	v5 =	vld [tilespmem:s19+$0x8000]  }
0x93: {  	v6 =	vld [tilespmem:s19+$0x4010]  }
0x94: {  	v7 =	vld [tilespmem:s19+$0x8010]  }
0x95: {  	v8 =	vld [tilespmem:s19+$0x4020]  }
0x96: {  	v9 =	vld [tilespmem:s19+$0x8020]  }
0x97: {  	v1 =	vld [tilespmem:s19+$0x4030]  }
0x98: {  	v4 =	vld [tilespmem:s19+$0x8030];
	v2 =	vadd.f32 v0, v2  }
0x99: {  	v0 =	vld [tilespmem:s19+$0x4040];
	v6 =	vadd.f32 v7, v6  }
0x9a: {  	v5 =	vadd.f32 v5, v3;
	v3 =	vld [tilespmem:s19+$0x8040];
	[tilespmem:s0+$0xC000] =	vst v2  }
0x9b: {  	v2 =	vld [tilespmem:s19+$0x4050];
	[tilespmem:s19+$0x10010] =	vst v6;
	v6 =	vadd.f32 v9, v8  }
0x9c: {  	s20 =	simm.s32 $0x0;
	s21 =	simm.s32 $0x400;
	s23 =	simm.s32 $0x10;
	[tilespmem:s19+$0x10000] =	vst v5;
	v5 =	vld [tilespmem:s19+$0x8050]  }
.LBB2_7:
0x9d: {  	s0 =	sand.u32 $0x1C00, s21;
	s24 =	sand.u32 $0x380, s23;
	s20 =	sadd.s32 $0x8, s20;
	[tilespmem:s19+$0x10020] =	vst v6;
	v1 =	vadd.f32 v4, v1;
	v4 =	vld [tilespmem:s19+$0x4060]  }
0x9e: {  	s24 =	sor.u32 s24, s0;
	s0 =	sor.u32 s0, s23;
	p1 =	slt.u32 s20, $0x1F8;
	v6 =	vld [tilespmem:s19+$0x8060]  }
0x9f: {  	s0 =	sor.u32 $0x4070, s0;
	v7 =	vld [tilespmem:s24+$0x8070];
	[tilespmem:s19+$0x10030] =	vst v1;
	v0 =	vadd.f32 v3, v0  }
0xa0: {  	v1 =	vld [tilespmem:s0+$0x0]  }
0xa1: {  	v3 =	vld [tilespmem:s24+$0x4000];
	[tilespmem:s19+$0x10040] =	vst v0;
	v0 =	vadd.f32 v5, v2  }
0xa2: {  	v2 =	vld [tilespmem:s24+$0x8000]  }
0xa3: {  	v5 =	vld [tilespmem:s24+$0x4010];
	[tilespmem:s19+$0x10050] =	vst v0;
	v0 =	vadd.f32 v6, v4  }
0xa4: {  	v6 =	vld [tilespmem:s24+$0x8010]  }
0xa5: {  	v8 =	vld [tilespmem:s24+$0x4020];
	v4 =	vadd.f32 v7, v1;
	[tilespmem:s19+$0x10060] =	vst v0;
	s19 =	smov.u32 s24  }
0xa6: {  	v7 =	vld [tilespmem:s19+$0x8020]  }
0xa7: {  	v0 =	vadd.f32 v2, v3;
	v1 =	vld [tilespmem:s19+$0x4030];
	[tilespmem:s0+$0xC000] =	vst v4  }
.Ltmp2:
0xa8: {  	v4 =	vld [tilespmem:s19+$0x8030];
	(pc) =	sbr.rel @p1 .LBB2_7-.Ltmp2, $4  }
0xa9: {  	[tilespmem:s19+$0x10000] =	vst v0;
	v2 =	vadd.f32 v6, v5;
	v0 =	vld [tilespmem:s19+$0x4040]  }
0xaa: {  	v3 =	vld [tilespmem:s19+$0x8040]  }
0xab: {  	[tilespmem:s19+$0x10010] =	vst v2;
	v6 =	vadd.f32 v7, v8;
	v2 =	vld [tilespmem:s19+$0x4050]  }
0xac: {  	s21 =	sadd.s32 $0x400, s21;
	s23 =	sadd.s32 $0x10, s23;
	v5 =	vld [tilespmem:s19+$0x8050]  }
0xad: {  	v7 =	vld [tilespmem:s19+$0x4060]  }
0xae: {  	v8 =	vld [tilespmem:s19+$0x8060];
	_ =	sdelay $0x1  }
0xaf: {  	v1 =	vadd.f32 v4, v1  }
0xb0: {  	[tilespmem:s19+$0x10020] =	vst v6;
	v0 =	vadd.f32 v3, v0  }
0xb1: {  	[tilespmem:s19+$0x10030] =	vst v1;
	v1 =	vadd.f32 v5, v2  }
0xb2: {  	[tilespmem:s19+$0x10040] =	vst v0;
	v0 =	vadd.f32 v8, v7  }
0xb3: {  	[tilespmem:s19+$0x10050] =	vst v1  }
0xb4: {  	s0 =	sadd.s32 s14, s17;
	s24 =	simm.s32 $0x10000;
	[tilespmem:s19+$0x10060] =	vst v0  }
0xb5: {  	[hbm4b:s0+s4] =	stream.linear.scatter [tilespmem:s24], [sflag:$0x9], $0x2000, $0x38;
	[tilespmem:$0x14000] =	vst v63  }
0xb6: {  	s20 =	sadd.s32 s15, s9;
	s21 =	simm.s32 $0x4000  }
0xb7: {  	[tilespmem:s21], [sflag:$0x3] =	stream.linear.gather [hbm4b:s20+s4], $0x2000, $0x38;
	[tilespmem:$0x14000] =	vst v63  }
0xb8: {  	_ =	swait.ge [sflag:s11], $0x2000  }
0xb9: {  	[sflag:s11] =	ssyncset.done $0x0  }
0xba: {  	s0 =	simm.s32 @!p0 $0xA;
	[sflag:s11] =	ssyncadd.s32 $0xFFFFE000  }
0xbb: {  	s20 =	simm.s32 $0x0;
	_ =	swait.ge @!p0 [sflag:s0], $0x2000  }
0xbc: {  	s21 =	sand.u32 $0x1C00, s20;
	s23 =	sand.u32 $0x380, s20;
	[sflag:s0] =	ssyncset.done @!p0 $0x0  }
0xbd: {  	s19 =	sor.u32 s23, s21;
	s24 =	sor.u32 s21, s20;
	[sflag:s0] =	ssyncadd.s32 @!p0 $0xFFFFE000  }
0xbe: {  	s0 =	sor.u32 $0x6070, s24;
	v0 =	vld [tilespmem:s19+$0x8070]  }
0xbf: {  	v2 =	vld [tilespmem:s0+$0x0]  }
0xc0: {  	v3 =	vld [tilespmem:s19+$0x6000]  }
0xc1: {  	v5 =	vld [tilespmem:s19+$0x8000]  }
0xc2: {  	v6 =	vld [tilespmem:s19+$0x6010]  }
0xc3: {  	v7 =	vld [tilespmem:s19+$0x8010]  }
0xc4: {  	v8 =	vld [tilespmem:s19+$0x6020]  }
0xc5: {  	v9 =	vld [tilespmem:s19+$0x8020]  }
0xc6: {  	v1 =	vld [tilespmem:s19+$0x6030]  }
0xc7: {  	v4 =	vld [tilespmem:s19+$0x8030];
	v2 =	vadd.f32 v0, v2  }
0xc8: {  	v0 =	vld [tilespmem:s19+$0x6040];
	v6 =	vadd.f32 v7, v6  }
0xc9: {  	v5 =	vadd.f32 v5, v3;
	v3 =	vld [tilespmem:s19+$0x8040];
	[tilespmem:s0+$0xC000] =	vst v2  }
0xca: {  	v2 =	vld [tilespmem:s19+$0x6050];
	[tilespmem:s19+$0x12010] =	vst v6;
	v6 =	vadd.f32 v9, v8  }
0xcb: {  	s20 =	simm.s32 $0x0;
	s21 =	simm.s32 $0x400;
	s23 =	simm.s32 $0x10;
	[tilespmem:s19+$0x12000] =	vst v5;
	v5 =	vld [tilespmem:s19+$0x8050]  }
.LBB2_9:
0xcc: {  	s0 =	sand.u32 $0x1C00, s21;
	s24 =	sand.u32 $0x380, s23;
	s20 =	sadd.s32 $0x8, s20;
	[tilespmem:s19+$0x12020] =	vst v6;
	v1 =	vadd.f32 v4, v1;
	v4 =	vld [tilespmem:s19+$0x6060]  }
0xcd: {  	s24 =	sor.u32 s24, s0;
	s0 =	sor.u32 s0, s23;
	p0 =	slt.u32 s20, $0x1F8;
	v6 =	vld [tilespmem:s19+$0x8060]  }
0xce: {  	s0 =	sor.u32 $0x6070, s0;
	v7 =	vld [tilespmem:s24+$0x8070];
	[tilespmem:s19+$0x12030] =	vst v1;
	v0 =	vadd.f32 v3, v0  }
0xcf: {  	v1 =	vld [tilespmem:s0+$0x0]  }
0xd0: {  	v3 =	vld [tilespmem:s24+$0x6000];
	[tilespmem:s19+$0x12040] =	vst v0;
	v0 =	vadd.f32 v5, v2  }
0xd1: {  	v2 =	vld [tilespmem:s24+$0x8000]  }
0xd2: {  	v5 =	vld [tilespmem:s24+$0x6010];
	[tilespmem:s19+$0x12050] =	vst v0;
	v0 =	vadd.f32 v6, v4  }
0xd3: {  	v6 =	vld [tilespmem:s24+$0x8010]  }
0xd4: {  	v8 =	vld [tilespmem:s24+$0x6020];
	v4 =	vadd.f32 v7, v1;
	[tilespmem:s19+$0x12060] =	vst v0;
	s19 =	smov.u32 s24  }
0xd5: {  	v7 =	vld [tilespmem:s19+$0x8020]  }
0xd6: {  	v0 =	vadd.f32 v2, v3;
	v1 =	vld [tilespmem:s19+$0x6030];
	[tilespmem:s0+$0xC000] =	vst v4  }
.Ltmp3:
0xd7: {  	v4 =	vld [tilespmem:s19+$0x8030];
	(pc) =	sbr.rel @p0 .LBB2_9-.Ltmp3, $4  }
0xd8: {  	[tilespmem:s19+$0x12000] =	vst v0;
	v2 =	vadd.f32 v6, v5;
	v0 =	vld [tilespmem:s19+$0x6040]  }
0xd9: {  	v3 =	vld [tilespmem:s19+$0x8040]  }
0xda: {  	[tilespmem:s19+$0x12010] =	vst v2;
	v6 =	vadd.f32 v7, v8;
	v2 =	vld [tilespmem:s19+$0x6050]  }
0xdb: {  	s21 =	sadd.s32 $0x400, s21;
	s23 =	sadd.s32 $0x10, s23;
	v5 =	vld [tilespmem:s19+$0x8050]  }
0xdc: {  	v7 =	vld [tilespmem:s19+$0x6060]  }
0xdd: {  	v8 =	vld [tilespmem:s19+$0x8060];
	_ =	sdelay $0x1  }
0xde: {  	v1 =	vadd.f32 v4, v1  }
0xdf: {  	[tilespmem:s19+$0x12020] =	vst v6;
	v0 =	vadd.f32 v3, v0  }
0xe0: {  	[tilespmem:s19+$0x12030] =	vst v1;
	v1 =	vadd.f32 v5, v2  }
0xe1: {  	[tilespmem:s19+$0x12040] =	vst v0;
	v0 =	vadd.f32 v8, v7  }
0xe2: {  	[tilespmem:s19+$0x12050] =	vst v1  }
0xe3: {  	s0 =	sadd.s32 s14, s18;
	s24 =	simm.s32 $0x12000;
	[tilespmem:s19+$0x12060] =	vst v0  }
0xe4: {  	[hbm4b:s0+s4] =	stream.linear.scatter [tilespmem:s24], [sflag:$0xA], $0x2000, $0x38;
	[tilespmem:$0x14000] =	vst v63  }
0xe5: {  	s15 =	sadd.s32 s15, s10;
	s19 =	simm.s32 $0x6000  }
0xe6: {  	[tilespmem:s19], [sflag:$0x4] =	stream.linear.gather [hbm4b:s15+s4], $0x2000, $0x38;
	[tilespmem:$0x14000] =	vst v63  }
0xe7: {  	_ =	swait.ge [sflag:s13], $0x2000  }
0xe8: {  	p0 =	seq.s32 s28, $0x7;
	s0 =	rddreg [dreg:$0xc]  }
0xe9: {  	s0 =	sadd.s32 @!p0 s5, s0  }
0xea: {  	s0 =	sshll.u32 @!p0 s0, $0xA  }
0xeb: {  	s14 =	simm.s32 @!p0 $0x8000;
	[sflag:s13] =	ssyncset.done $0x0;
	s0 =	sand.u32 @!p0 $0x1FFFF800, s0  }
0xec: {  	[sflag:s13] =	ssyncadd.s32 $0xFFFFE000;
	s5 =	simm.s32 @!p0 $0x0;
	s0 =	sadd.s32 @!p0 s7, s0  }
0xed: {  	[tilespmem:s14], [sflag:$0x5] =	stream.linear.gather @!p0 [hbm4b:s0+s5], $0x2000, $0x38;
	[tilespmem:$0x14000] =	vst v63  }
0xee: {  	_ =	swait.ge [sflag:s31], $0x2000  }
0xef: {  	[sflag:s31] =	ssyncset.done $0x0  }
0xf0: {  	[sflag:s31] =	ssyncadd.s32 $0xFFFFE000  }
0xf1: {  	s20 =	simm.s32 $0x0;
	_ =	swait.ge [sflag:s22], $0x2000  }
0xf2: {  	s21 =	sand.u32 $0x1C00, s20;
	s24 =	sand.u32 $0x380, s20;
	[sflag:s22] =	ssyncset.done $0x0  }
0xf3: {  	s5 =	sor.u32 s24, s21;
	s0 =	sor.u32 s21, s20;
	[sflag:s22] =	ssyncadd.s32 $0xFFFFE000  }
0xf4: {  	s0 =	sor.u32 $0x70, s0;
	v0 =	vld [tilespmem:s5+$0xA070]  }
0xf5: {  	v2 =	vld [tilespmem:s0+$0x0]  }
0xf6: {  	v3 =	vld [tilespmem:s5+$0x0]  }
0xf7: {  	v5 =	vld [tilespmem:s5+$0xA000]  }
0xf8: {  	v6 =	vld [tilespmem:s5+$0x10]  }
0xf9: {  	v7 =	vld [tilespmem:s5+$0xA010]  }
0xfa: {  	v8 =	vld [tilespmem:s5+$0x20]  }
0xfb: {  	v9 =	vld [tilespmem:s5+$0xA020]  }
0xfc: {  	v1 =	vld [tilespmem:s5+$0x30]  }
0xfd: {  	v4 =	vld [tilespmem:s5+$0xA030];
	v2 =	vadd.f32 v0, v2  }
0xfe: {  	v0 =	vld [tilespmem:s5+$0x40];
	v6 =	vadd.f32 v7, v6  }
0xff: {  	v5 =	vadd.f32 v5, v3;
	v3 =	vld [tilespmem:s5+$0xA040];
	[tilespmem:s0+$0xC000] =	vst v2  }
0x100: {  	s23 =	smov.u32 s7;
	v2 =	vld [tilespmem:s5+$0x50];
	[tilespmem:s5+$0xC010] =	vst v6;
	v6 =	vadd.f32 v9, v8  }
0x101: {  	s15 =	simm.s32 $0x400;
	s19 =	simm.s32 $0x10;
	s14 =	simm.s32 $0x0;
	[tilespmem:s5+$0xC000] =	vst v5;
	v5 =	vld [tilespmem:s5+$0xA050]  }
.LBB2_11:
0x102: {  	s0 =	sand.u32 $0x1C00, s15;
	s20 =	sand.u32 $0x380, s19;
	s14 =	sadd.s32 $0x8, s14;
	[tilespmem:s5+$0xC020] =	vst v6;
	v1 =	vadd.f32 v4, v1;
	v4 =	vld [tilespmem:s5+$0x60]  }
0x103: {  	s20 =	sor.u32 s20, s0;
	s0 =	sor.u32 s0, s19;
	p0 =	slt.u32 s14, $0x1F8;
	v6 =	vld [tilespmem:s5+$0xA060]  }
0x104: {  	s0 =	sor.u32 $0x70, s0;
	v7 =	vld [tilespmem:s20+$0xA070];
	[tilespmem:s5+$0xC030] =	vst v1;
	v0 =	vadd.f32 v3, v0  }
0x105: {  	v1 =	vld [tilespmem:s0+$0x0]  }
0x106: {  	v3 =	vld [tilespmem:s20+$0x0];
	[tilespmem:s5+$0xC040] =	vst v0;
	v0 =	vadd.f32 v5, v2  }
0x107: {  	v2 =	vld [tilespmem:s20+$0xA000]  }
0x108: {  	v5 =	vld [tilespmem:s20+$0x10];
	[tilespmem:s5+$0xC050] =	vst v0;
	v0 =	vadd.f32 v6, v4  }
0x109: {  	v6 =	vld [tilespmem:s20+$0xA010]  }
0x10a: {  	v8 =	vld [tilespmem:s20+$0x20];
	v4 =	vadd.f32 v7, v1;
	[tilespmem:s5+$0xC060] =	vst v0;
	s5 =	smov.u32 s20  }
0x10b: {  	v7 =	vld [tilespmem:s5+$0xA020]  }
0x10c: {  	v0 =	vadd.f32 v2, v3;
	v1 =	vld [tilespmem:s5+$0x30];
	[tilespmem:s0+$0xC000] =	vst v4  }
.Ltmp4:
0x10d: {  	v4 =	vld [tilespmem:s5+$0xA030];
	(pc) =	sbr.rel @p0 .LBB2_11-.Ltmp4, $4  }
0x10e: {  	[tilespmem:s5+$0xC000] =	vst v0;
	v2 =	vadd.f32 v6, v5;
	v0 =	vld [tilespmem:s5+$0x40]  }
0x10f: {  	v3 =	vld [tilespmem:s5+$0xA040]  }
0x110: {  	[tilespmem:s5+$0xC010] =	vst v2;
	v6 =	vadd.f32 v7, v8;
	v2 =	vld [tilespmem:s5+$0x50]  }
0x111: {  	s15 =	sadd.s32 $0x400, s15;
	s19 =	sadd.s32 $0x10, s19;
	v5 =	vld [tilespmem:s5+$0xA050]  }
0x112: {  	v7 =	vld [tilespmem:s5+$0x60]  }
0x113: {  	v8 =	vld [tilespmem:s5+$0xA060];
	_ =	sdelay $0x1  }
0x114: {  	v1 =	vadd.f32 v4, v1  }
0x115: {  	[tilespmem:s5+$0xC020] =	vst v6;
	v0 =	vadd.f32 v3, v0  }
0x116: {  	[tilespmem:s5+$0xC030] =	vst v1;
	v1 =	vadd.f32 v5, v2  }
0x117: {  	[tilespmem:s5+$0xC040] =	vst v0;
	v0 =	vadd.f32 v8, v7  }
0x118: {  	[tilespmem:s5+$0xC050] =	vst v1  }
0x119: {  	s0 =	sadd.s32 s12, s2;
	s15 =	simm.s32 $0xC000;
	p0 =	sgt.u32 s3, $0xE;
	[tilespmem:s5+$0xC060] =	vst v0  }
0x11a: {  	[hbm4b:s0+s4] =	stream.linear.scatter [tilespmem:s15], [sflag:$0x7], $0x2000, $0x38;
	[tilespmem:$0x14000] =	vst v63  }
0x11b: {  	s0 =	sshll.u32 @!p0 s3, $0xA;
	s5 =	rddreg [dreg:$0xd]  }
0x11c: {  	s0 =	sadd.s32 @!p0 s0, s5;
	s5 =	simm.s32 @!p0 $0x0  }
0x11d: {  	[tilespmem:s5], [sflag:$0x1] =	stream.linear.gather @!p0 [hbm4b:s0+s5], $0x2000, $0x38;
	[tilespmem:$0x14000] =	vst v63  }
0x11e: {  	_ =	swait.ge [sflag:s1], $0x2000  }
0x11f: {  	[sflag:s1] =	ssyncset.done $0x0  }
0x120: {  	s14 =	simm.s32 $0x0;
	[sflag:s1] =	ssyncadd.s32 $0xFFFFE000  }
0x121: {  	s19 =	sand.u32 $0x1C00, s14;
	_ =	swait.ge [sflag:s30], $0x2000  }
0x122: {  	s20 =	sor.u32 s19, s14;
	[sflag:s30] =	ssyncset.done $0x0  }
0x123: {  	s15 =	sor.u32 $0x2070, s20;
	[sflag:s30] =	ssyncadd.s32 $0xFFFFE000  }
0x124: {  	s21 =	sand.u32 $0x380, s14;
	v0 =	vld [tilespmem:s15+$0x0]  }
0x125: {  	s5 =	sor.u32 s21, s19;
	v1 =	vld [tilespmem:s15+$0x8000]  }
0x126: {  	v2 =	vld [tilespmem:s5+$0x2000]  }
0x127: {  	v3 =	vld [tilespmem:s5+$0xA000]  }
0x128: {  	v4 =	vld [tilespmem:s5+$0x2010]  }
0x129: {  	v5 =	vld [tilespmem:s5+$0xA010]  }
0x12a: {  	v6 =	vld [tilespmem:s5+$0x2020]  }
0x12b: {  	v7 =	vld [tilespmem:s5+$0xA020]  }
0x12c: {  	v1 =	vadd.f32 v1, v0;
	v0 =	vld [tilespmem:s5+$0x2030]  }
0x12d: {  	v2 =	vadd.f32 v3, v2;
	v3 =	vld [tilespmem:s5+$0xA030]  }
0x12e: {  	v4 =	vadd.f32 v5, v4;
	[tilespmem:s15+$0xC000] =	vst v1;
	v1 =	vld [tilespmem:s5+$0x2040]  }
0x12f: {  	s24 =	smov.u32 s12;
	[tilespmem:s5+$0xE000] =	vst v2;
	v2 =	vld [tilespmem:s5+$0xA040]  }
0x130: {  	s3 =	sshll.u32 s3, $0x3;
	s19 =	simm.s32 $0x400;
	v5 =	vadd.f32 v7, v6;
	s15 =	simm.s32 $0x0;
	[tilespmem:s5+$0xE010] =	vst v4;
	v4 =	vld [tilespmem:s5+$0x2050]  }
.LBB2_13:
0x131: {  	s0 =	sand.u32 $0x1C00, s19;
	v6 =	vld [tilespmem:s5+$0xA050];
	s14 =	sadd.s32 $0x10, s14  }
0x132: {  	s15 =	sadd.s32 $0x8, s15;
	s20 =	sand.u32 $0x380, s14;
	s21 =	sor.u32 s0, s14;
	[tilespmem:s5+$0xE020] =	vst v5;
	v0 =	vadd.f32 v3, v0;
	v3 =	vld [tilespmem:s5+$0x2060]  }
0x133: {  	p1 =	slt.u32 s15, $0x1F8;
	s0 =	sor.u32 s20, s0;
	s20 =	sor.u32 $0x2070, s21;
	v5 =	vld [tilespmem:s5+$0xA060]  }
0x134: {  	v7 =	vld [tilespmem:s20+$0x0];
	[tilespmem:s5+$0xE030] =	vst v0;
	v0 =	vadd.f32 v2, v1  }
0x135: {  	v1 =	vld [tilespmem:s20+$0x8000]  }
0x136: {  	v2 =	vld [tilespmem:s0+$0x2000];
	[tilespmem:s5+$0xE040] =	vst v0;
	v0 =	vadd.f32 v6, v4  }
0x137: {  	v4 =	vld [tilespmem:s0+$0xA000]  }
0x138: {  	v6 =	vld [tilespmem:s0+$0x2010];
	[tilespmem:s5+$0xE050] =	vst v0;
	v0 =	vadd.f32 v5, v3  }
0x139: {  	v5 =	vld [tilespmem:s0+$0xA010]  }
0x13a: {  	v8 =	vld [tilespmem:s0+$0x2020];
	v1 =	vadd.f32 v1, v7;
	[tilespmem:s5+$0xE060] =	vst v0;
	s5 =	smov.u32 s0  }
0x13b: {  	v7 =	vld [tilespmem:s5+$0xA020]  }
.Ltmp5:
0x13c: {  	v2 =	vadd.f32 v4, v2;
	v0 =	vld [tilespmem:s5+$0x2030];
	[tilespmem:s20+$0xC000] =	vst v1;
	(pc) =	sbr.rel @p1 .LBB2_13-.Ltmp5, $4  }
0x13d: {  	v3 =	vld [tilespmem:s5+$0xA030]  }
0x13e: {  	[tilespmem:s5+$0xE000] =	vst v2;
	v4 =	vadd.f32 v5, v6;
	v1 =	vld [tilespmem:s5+$0x2040]  }
0x13f: {  	v2 =	vld [tilespmem:s5+$0xA040]  }
0x140: {  	s19 =	sadd.s32 $0x400, s19;
	[tilespmem:s5+$0xE010] =	vst v4;
	v5 =	vadd.f32 v7, v8;
	v4 =	vld [tilespmem:s5+$0x2050]  }
0x141: {  	v6 =	vld [tilespmem:s5+$0xA050]  }
0x142: {  	v7 =	vld [tilespmem:s5+$0x2060]  }
0x143: {  	v8 =	vld [tilespmem:s5+$0xA060];
	_ =	sdelay $0x1  }
0x144: {  	v0 =	vadd.f32 v3, v0  }
0x145: {  	[tilespmem:s5+$0xE020] =	vst v5;
	v1 =	vadd.f32 v2, v1  }
0x146: {  	[tilespmem:s5+$0xE030] =	vst v0;
	v0 =	vadd.f32 v6, v4  }
0x147: {  	[tilespmem:s5+$0xE040] =	vst v1;
	v1 =	vadd.f32 v8, v7  }
0x148: {  	[tilespmem:s5+$0xE050] =	vst v0  }
0x149: {  	s0 =	sadd.s32 s2, s16;
	s15 =	simm.s32 $0xE000;
	[tilespmem:s5+$0xE060] =	vst v1  }
0x14a: {  	[hbm4b:s0+s4] =	stream.linear.scatter [tilespmem:s15], [sflag:$0x8], $0x2000, $0x38;
	[tilespmem:$0x14000] =	vst v63  }
0x14b: {  	s0 =	rddreg [dreg:$0xe]  }
0x14c: {  	s0 =	sadd.s32 @!p0 s3, s0  }
0x14d: {  	s3 =	sshll.u32 @!p0 s0, $0x7  }
0x14e: {  	s14 =	simm.s32 @!p0 $0x2000;
	s5 =	simm.s32 @!p0 $0x0;
	s0 =	sadd.s32 @!p0 s3, s8  }
0x14f: {  	[tilespmem:s14], [sflag:$0x2] =	stream.linear.gather @!p0 [hbm4b:s0+s5], $0x2000, $0x38;
	[tilespmem:$0x14000] =	vst v63  }
0x150: {  	_ =	swait.ge [sflag:s6], $0x2000  }
0x151: {  	[sflag:s6] =	ssyncset.done $0x0  }
0x152: {  	[sflag:s6] =	ssyncadd.s32 $0xFFFFE000  }
0x153: {  	s19 =	simm.s32 $0x0;
	_ =	swait.ge [sflag:s25], $0x2000  }
0x154: {  	s20 =	sand.u32 $0x1C00, s19;
	s21 =	sand.u32 $0x380, s19;
	[sflag:s25] =	ssyncset.done $0x0  }
0x155: {  	s5 =	sor.u32 s21, s20;
	s0 =	sor.u32 s20, s19;
	[sflag:s25] =	ssyncadd.s32 $0xFFFFE000  }
0x156: {  	s0 =	sor.u32 $0x4070, s0;
	v0 =	vld [tilespmem:s5+$0xA070]  }
0x157: {  	v2 =	vld [tilespmem:s0+$0x0]  }
0x158: {  	v3 =	vld [tilespmem:s5+$0x4000]  }
0x159: {  	v5 =	vld [tilespmem:s5+$0xA000]  }
0x15a: {  	v6 =	vld [tilespmem:s5+$0x4010]  }
0x15b: {  	v7 =	vld [tilespmem:s5+$0xA010]  }
0x15c: {  	v8 =	vld [tilespmem:s5+$0x4020]  }
0x15d: {  	v9 =	vld [tilespmem:s5+$0xA020]  }
0x15e: {  	v1 =	vld [tilespmem:s5+$0x4030]  }
0x15f: {  	v4 =	vld [tilespmem:s5+$0xA030];
	v2 =	vadd.f32 v0, v2  }
0x160: {  	v0 =	vld [tilespmem:s5+$0x4040];
	v6 =	vadd.f32 v7, v6  }
0x161: {  	v5 =	vadd.f32 v5, v3;
	v3 =	vld [tilespmem:s5+$0xA040];
	[tilespmem:s0+$0xC000] =	vst v2  }
0x162: {  	v2 =	vld [tilespmem:s5+$0x4050];
	[tilespmem:s5+$0x10010] =	vst v6;
	v6 =	vadd.f32 v9, v8  }
0x163: {  	s15 =	simm.s32 $0x400;
	s14 =	simm.s32 $0x0;
	s19 =	simm.s32 $0x10;
	[tilespmem:s5+$0x10000] =	vst v5;
	v5 =	vld [tilespmem:s5+$0xA050]  }
.LBB2_15:
0x164: {  	s0 =	sand.u32 $0x1C00, s15;
	s20 =	sand.u32 $0x380, s19;
	s14 =	sadd.s32 $0x8, s14;
	[tilespmem:s5+$0x10020] =	vst v6;
	v1 =	vadd.f32 v4, v1;
	v4 =	vld [tilespmem:s5+$0x4060]  }
0x165: {  	s20 =	sor.u32 s20, s0;
	s0 =	sor.u32 s0, s19;
	p1 =	slt.u32 s14, $0x1F8;
	v6 =	vld [tilespmem:s5+$0xA060]  }
0x166: {  	s0 =	sor.u32 $0x4070, s0;
	v7 =	vld [tilespmem:s20+$0xA070];
	[tilespmem:s5+$0x10030] =	vst v1;
	v0 =	vadd.f32 v3, v0  }
0x167: {  	v1 =	vld [tilespmem:s0+$0x0]  }
0x168: {  	v3 =	vld [tilespmem:s20+$0x4000];
	[tilespmem:s5+$0x10040] =	vst v0;
	v0 =	vadd.f32 v5, v2  }
0x169: {  	v2 =	vld [tilespmem:s20+$0xA000]  }
0x16a: {  	v5 =	vld [tilespmem:s20+$0x4010];
	[tilespmem:s5+$0x10050] =	vst v0;
	v0 =	vadd.f32 v6, v4  }
0x16b: {  	v6 =	vld [tilespmem:s20+$0xA010]  }
0x16c: {  	v8 =	vld [tilespmem:s20+$0x4020];
	v4 =	vadd.f32 v7, v1;
	[tilespmem:s5+$0x10060] =	vst v0;
	s5 =	smov.u32 s20  }
0x16d: {  	v7 =	vld [tilespmem:s5+$0xA020]  }
0x16e: {  	v0 =	vadd.f32 v2, v3;
	v1 =	vld [tilespmem:s5+$0x4030];
	[tilespmem:s0+$0xC000] =	vst v4  }
.Ltmp6:
0x16f: {  	v4 =	vld [tilespmem:s5+$0xA030];
	(pc) =	sbr.rel @p1 .LBB2_15-.Ltmp6, $4  }
0x170: {  	[tilespmem:s5+$0x10000] =	vst v0;
	v2 =	vadd.f32 v6, v5;
	v0 =	vld [tilespmem:s5+$0x4040]  }
0x171: {  	v3 =	vld [tilespmem:s5+$0xA040]  }
0x172: {  	[tilespmem:s5+$0x10010] =	vst v2;
	v6 =	vadd.f32 v7, v8;
	v2 =	vld [tilespmem:s5+$0x4050]  }
0x173: {  	s15 =	sadd.s32 $0x400, s15;
	s19 =	sadd.s32 $0x10, s19;
	v5 =	vld [tilespmem:s5+$0xA050]  }
0x174: {  	v7 =	vld [tilespmem:s5+$0x4060]  }
0x175: {  	v8 =	vld [tilespmem:s5+$0xA060];
	_ =	sdelay $0x1  }
0x176: {  	v1 =	vadd.f32 v4, v1  }
0x177: {  	[tilespmem:s5+$0x10020] =	vst v6;
	v0 =	vadd.f32 v3, v0  }
0x178: {  	[tilespmem:s5+$0x10030] =	vst v1;
	v1 =	vadd.f32 v5, v2  }
0x179: {  	[tilespmem:s5+$0x10040] =	vst v0;
	v0 =	vadd.f32 v8, v7  }
0x17a: {  	[tilespmem:s5+$0x10050] =	vst v1  }
0x17b: {  	s0 =	sadd.s32 s2, s17;
	s15 =	simm.s32 $0x10000;
	[tilespmem:s5+$0x10060] =	vst v0  }
0x17c: {  	[hbm4b:s0+s4] =	stream.linear.scatter [tilespmem:s15], [sflag:$0x9], $0x2000, $0x38;
	[tilespmem:$0x14000] =	vst v63  }
0x17d: {  	s14 =	simm.s32 @!p0 $0x4000;
	s5 =	simm.s32 @!p0 $0x0;
	s0 =	sadd.s32 @!p0 s3, s9  }
0x17e: {  	[tilespmem:s14], [sflag:$0x3] =	stream.linear.gather @!p0 [hbm4b:s0+s5], $0x2000, $0x38;
	[tilespmem:$0x14000] =	vst v63  }
0x17f: {  	_ =	swait.ge [sflag:s11], $0x2000  }
0x180: {  	[sflag:s11] =	ssyncset.done $0x0  }
0x181: {  	[sflag:s11] =	ssyncadd.s32 $0xFFFFE000  }
0x182: {  	s19 =	simm.s32 $0x0;
	_ =	swait.ge [sflag:s26], $0x2000  }
0x183: {  	s20 =	sand.u32 $0x1C00, s19;
	s21 =	sand.u32 $0x380, s19;
	[sflag:s26] =	ssyncset.done $0x0  }
0x184: {  	s5 =	sor.u32 s21, s20;
	s0 =	sor.u32 s20, s19;
	[sflag:s26] =	ssyncadd.s32 $0xFFFFE000  }
0x185: {  	s0 =	sor.u32 $0x6070, s0;
	v0 =	vld [tilespmem:s5+$0xA070]  }
0x186: {  	v2 =	vld [tilespmem:s0+$0x0]  }
0x187: {  	v3 =	vld [tilespmem:s5+$0x6000]  }
0x188: {  	v5 =	vld [tilespmem:s5+$0xA000]  }
0x189: {  	v6 =	vld [tilespmem:s5+$0x6010]  }
0x18a: {  	v7 =	vld [tilespmem:s5+$0xA010]  }
0x18b: {  	v8 =	vld [tilespmem:s5+$0x6020]  }
0x18c: {  	v9 =	vld [tilespmem:s5+$0xA020]  }
0x18d: {  	v1 =	vld [tilespmem:s5+$0x6030]  }
0x18e: {  	v4 =	vld [tilespmem:s5+$0xA030];
	v2 =	vadd.f32 v0, v2  }
0x18f: {  	v0 =	vld [tilespmem:s5+$0x6040];
	v6 =	vadd.f32 v7, v6  }
0x190: {  	v5 =	vadd.f32 v5, v3;
	v3 =	vld [tilespmem:s5+$0xA040];
	[tilespmem:s0+$0xC000] =	vst v2  }
0x191: {  	v2 =	vld [tilespmem:s5+$0x6050];
	[tilespmem:s5+$0x12010] =	vst v6;
	v6 =	vadd.f32 v9, v8  }
0x192: {  	s15 =	simm.s32 $0x400;
	s14 =	simm.s32 $0x0;
	s19 =	simm.s32 $0x10;
	[tilespmem:s5+$0x12000] =	vst v5;
	v5 =	vld [tilespmem:s5+$0xA050]  }
.LBB2_17:
0x193: {  	s0 =	sand.u32 $0x1C00, s15;
	s20 =	sand.u32 $0x380, s19;
	s14 =	sadd.s32 $0x8, s14;
	[tilespmem:s5+$0x12020] =	vst v6;
	v1 =	vadd.f32 v4, v1;
	v4 =	vld [tilespmem:s5+$0x6060]  }
0x194: {  	s20 =	sor.u32 s20, s0;
	s0 =	sor.u32 s0, s19;
	p1 =	slt.u32 s14, $0x1F8;
	v6 =	vld [tilespmem:s5+$0xA060]  }
0x195: {  	s0 =	sor.u32 $0x6070, s0;
	v7 =	vld [tilespmem:s20+$0xA070];
	[tilespmem:s5+$0x12030] =	vst v1;
	v0 =	vadd.f32 v3, v0  }
0x196: {  	v1 =	vld [tilespmem:s0+$0x0]  }
0x197: {  	v3 =	vld [tilespmem:s20+$0x6000];
	[tilespmem:s5+$0x12040] =	vst v0;
	v0 =	vadd.f32 v5, v2  }
0x198: {  	v2 =	vld [tilespmem:s20+$0xA000]  }
0x199: {  	v5 =	vld [tilespmem:s20+$0x6010];
	[tilespmem:s5+$0x12050] =	vst v0;
	v0 =	vadd.f32 v6, v4  }
0x19a: {  	v6 =	vld [tilespmem:s20+$0xA010]  }
0x19b: {  	v8 =	vld [tilespmem:s20+$0x6020];
	v4 =	vadd.f32 v7, v1;
	[tilespmem:s5+$0x12060] =	vst v0;
	s5 =	smov.u32 s20  }
0x19c: {  	v7 =	vld [tilespmem:s5+$0xA020]  }
0x19d: {  	v0 =	vadd.f32 v2, v3;
	v1 =	vld [tilespmem:s5+$0x6030];
	[tilespmem:s0+$0xC000] =	vst v4  }
.Ltmp7:
0x19e: {  	v4 =	vld [tilespmem:s5+$0xA030];
	(pc) =	sbr.rel @p1 .LBB2_17-.Ltmp7, $4  }
0x19f: {  	[tilespmem:s5+$0x12000] =	vst v0;
	v2 =	vadd.f32 v6, v5;
	v0 =	vld [tilespmem:s5+$0x6040]  }
0x1a0: {  	v3 =	vld [tilespmem:s5+$0xA040]  }
0x1a1: {  	[tilespmem:s5+$0x12010] =	vst v2;
	v6 =	vadd.f32 v7, v8;
	v2 =	vld [tilespmem:s5+$0x6050]  }
0x1a2: {  	s15 =	sadd.s32 $0x400, s15;
	s19 =	sadd.s32 $0x10, s19;
	v5 =	vld [tilespmem:s5+$0xA050]  }
0x1a3: {  	v7 =	vld [tilespmem:s5+$0x6060]  }
0x1a4: {  	v8 =	vld [tilespmem:s5+$0xA060];
	_ =	sdelay $0x1  }
0x1a5: {  	v1 =	vadd.f32 v4, v1  }
0x1a6: {  	[tilespmem:s5+$0x12020] =	vst v6;
	v0 =	vadd.f32 v3, v0  }
0x1a7: {  	[tilespmem:s5+$0x12030] =	vst v1;
	v62 =	vadd.f32 v5, v2  }
0x1a8: {  	[tilespmem:s5+$0x12040] =	vst v0;
	v63 =	vadd.f32 v8, v7  }
0x1a9: {  	[tilespmem:s5+$0x12050] =	vst v62  }
0x1aa: {  	s0 =	sadd.s32 s2, s18;
	s21 =	simm.s32 $0x12000;
	s2 =	simm.s32 @!p0 $0x0;
	[tilespmem:s5+$0x12060] =	vst v63  }
0x1ab: {  	[hbm4b:s0+s4] =	stream.linear.scatter [tilespmem:s21], [sflag:$0xA], $0x2000, $0x38;
	[tilespmem:$0x14000] =	vst v63  }
0x1ac: {  	s28 =	sadd.s32 $0x1, s28;
	s0 =	sadd.s32 @!p0 s3, s10;
	s3 =	simm.s32 @!p0 $0x6000  }
0x1ad: {  	[tilespmem:s3], [sflag:$0x4] =	stream.linear.gather @!p0 [hbm4b:s0+s2], $0x2000, $0x38;
	[tilespmem:$0x14000] =	vst v63  }
0x1ae: {  	p0 =	sne.s32 s28, $0x8  }
.Ltmp8:
0x1af: {  	_ = 	snop;
	(pc) =	sbr.rel @p0 .LBB2_2-.Ltmp8, $1  }
0x1b0: {  	_ =	sdelay $0x3  }
0x1b1: {  	_ =	swait.ge [sflag:s22], $0x2000  }
0x1b2: {  	[sflag:s22] =	ssyncset.done $0x0  }
0x1b3: {  	[sflag:s22] =	ssyncadd.s32 $0xFFFFE000  }
0x1b4: {  	_ =	swait.ge [sflag:s30], $0x2000  }
0x1b5: {  	[sflag:s30] =	ssyncset.done $0x0  }
0x1b6: {  	[sflag:s30] =	ssyncadd.s32 $0xFFFFE000  }
0x1b7: {  	_ =	swait.ge [sflag:s25], $0x2000  }
0x1b8: {  	[sflag:s25] =	ssyncset.done $0x0  }
0x1b9: {  	[sflag:s25] =	ssyncadd.s32 $0xFFFFE000  }
0x1ba: {  	_ =	swait.ge [sflag:s26], $0x2000  }
0x1bb: {  	s2 =	rddreg [dreg:$0x11]  }
0x1bc: {  	s0 =	rddreg [dreg:$0xf];
	s2 =	sadd.s32 $0x1, s2  }
0x1bd: {  	p0 =	sne.s32 s2, s0  }
.Ltmp9:
0x1be: {  	_ = 	snop;
	(pc) =	sbr.rel @p0 .LBB2_1-.Ltmp9, $3  }
0x1bf: {  	_ =	sdelay $0x1  }
0x1c0: {  	[sflag:s26] =	ssyncset.done $0x0  }
0x1c1: {  	[sflag:s26] =	ssyncadd.s32 $0xFFFFE000  }
0x1c2: {  	_ =	sfence.sel $0x180000  }
0x1c3: {  	[bflag:$0x0] =	sbarrier.arrive $0xFFFF  }
0x1c4: {  	_ =	strace $0x90000047  }
0x1c5: {  	s0 =	stileid.u32;
	[bflag:$0x2] =	sbarrier.arrive $0xFFFF  }
0x1c6: {  	p0 =	sne.s32 s0, $0x0;
	s0 =	rddreg [dreg:$0x3]  }
0x1c7: {  	s0 =	sadd.s32 @!p0 $0x100000, s0  }
0x1c8: {  	[sflag:s0] =	ssyncadd.tile.s32 @!p0 $0x1;
	_ =	shalt  }
.Lfunc_end2:
_tile_overlayer_lowered:
.L_overlay_start_2:
0x1c9: {  	(tag) =	ssettag $0x2  }
0x1ca: {  	s0 =	rddreg [dreg:$0x0];
	s2 =	stileid.u32  }
0x1cb: {  	s1 =	rddreg [dreg:$0x1];
	p0 =	sne.s32 s2, $0x0  }
0x1cc: {  	s3 =	rddreg [dreg:$0x2];
	[bflag:$0x3] =	sbarrier.arrive $0xFFFF;
	s2 =	simm.s32 @!p0 $0x1C0B  }
0x1cd: {  	[timem:s3], [sflag:s2] =	dma.local @!p0 [hbm:s0], s1  }
0x1ce: {  	s0 =	simm.s32 @!p0 $0xB  }
0x1cf: {  	_ =	swait.ge @!p0 [sflag:s0], s1  }
0x1d0: {  	s1 =	ssub.s32 @!p0 $0x0, s1;
	[sflag:s0] =	ssyncset.done @!p0 $0x0  }
0x1d1: {  	[sflag:s0] =	ssyncadd.s32 @!p0 s1  }
0x1d2: {  	[bflag:$0x3] =	sbarrier.arrive $0xFFFF  }
0x1d3: {  	_ =	shalt  }

</sc_bundles>
